<compile_context>
chip_gen: v7x
topology: tpu7x:2x2x1
jax: 0.10.2.dev20260603
libtpu: 0.0.44.dev20260713+nightly
codegen_flags: <defaults>
</compile_context>

<pallas_src>
import functools

import jax
import jax.numpy as jnp
from jax import lax
from jax.experimental import pallas as pl
from jax.experimental.pallas import tpu as pltpu
from jax.experimental.pallas import tpu_sc as plsc

N_ROWS = 16384
N_COLS = 1024
K = 100
L = 16
NG = (K + L - 1) // L
KPAD = NG * L
S1 = KPAD + 1
NC = 2
NS = 16
NW = NC * NS
ROWS_PER_W = N_ROWS // NW
R = 16
NCHUNK = ROWS_PER_W // R
NBUF = 4

_mesh = plsc.VectorSubcoreMesh(core_axis_name="c", subcore_axis_name="s")


@functools.partial(
    pl.kernel,
    out_type=jax.ShapeDtypeStruct((K, N_ROWS), jnp.float32),
    mesh=_mesh,
    scratch_types=[
        pltpu.VMEM((KPAD,), jnp.int32),
        [pltpu.VMEM((R, N_COLS), jnp.float32) for _ in range(NBUF)],
        pltpu.VMEM((R * S1,), jnp.float32),
        pltpu.VMEM((K * ROWS_PER_W,), jnp.float32),
        [pltpu.SemaphoreType.DMA for _ in range(NBUF)],
        pltpu.SemaphoreType.DMA,
    ],
    compiler_params=pltpu.CompilerParams(
        use_tc_tiling_on_sc=True, needs_layout_passes=False
    ),
)
def _sc_gather(x_hbm, cols_hbm, out_hbm, idx_v, in_bufs, st1, st2, isems, osem):
    wid = lax.axis_index("s") * NC + lax.axis_index("c")
    base = wid * ROWS_PER_W

    iota = lax.iota(jnp.int32, L)
    idx_v[pl.ds((NG - 1) * L, L)] = jnp.zeros((L,), jnp.int32)
    pltpu.async_copy(cols_hbm, idx_v.at[pl.ds(0, K)], isems[0]).wait()
    col_vecs = [idx_v[pl.ds(j * L, L)] for j in range(NG)]
    iota_s1 = iota * S1

    def in_slice(chunk):
        return x_hbm.at[pl.ds(base + chunk * R, R), :]

    def compute(in_b, i_local0):
        @plsc.parallel_loop(0, R, unroll=4)
        def _row(r):
            row_splat = jnp.full((L,), r, jnp.int32)
            rs = r * S1
            for j in range(NG):
                vals = plsc.load_gather(in_b, [row_splat, col_vecs[j]])
                st1[pl.ds(rs + j * L, L)] = vals

        @plsc.parallel_loop(0, K, unroll=4)
        def _col(j):
            dst = j * ROWS_PER_W + i_local0
            for ib in range(R // L):
                vals = plsc.load_gather(st1, [ib * L * S1 + iota_s1 + j])
                st2[pl.ds(dst + ib * L, L)] = vals

    for b in range(NBUF):
        pltpu.async_copy(in_slice(b), in_bufs[b], isems[b])

    @pl.loop(0, NCHUNK, step=NBUF)
    def _g(g):
        for b in range(NBUF):
            chunk = g + b
            pltpu.make_async_copy(in_slice(chunk), in_bufs[b], isems[b]).wait()
            compute(in_bufs[b], chunk * R)

            @pl.when(chunk + NBUF < NCHUNK)
            def _next_in():
                pltpu.async_copy(in_slice(chunk + NBUF), in_bufs[b], isems[b])


    @pl.loop(0, K)
    def _flush(j):
        pltpu.async_copy(
            st2.at[pl.ds(j * ROWS_PER_W, ROWS_PER_W)],
            out_hbm.at[j, pl.ds(base, ROWS_PER_W)],
            osem,
        )

    @pl.loop(0, K)
    def _drain(j):
        pltpu.make_async_copy(
            st2.at[pl.ds(j * ROWS_PER_W, ROWS_PER_W)],
            out_hbm.at[j, pl.ds(base, ROWS_PER_W)],
            osem,
        ).wait()


def kernel(x, column_indices):
    cols = jnp.asarray(column_indices, jnp.int32)
    out_t = _sc_gather(x, cols)
    return out_t.T

# --- scband reference (transcript-rebuilt; emitter-appended) ---
"""Pipeline reference for scband-array-feature-extractor-86517821213649 (READ-ONLY COPY).

The authoritative reference and input builder live on the scoring server;
editing this copy changes nothing except your own understanding.
"""

import jax, jax.numpy as jnp
import numpy as np

_COLUMN_INDICES = [3, 7, 12, 18, 25, 33, 42, 52, 63, 75, 88, 102, 117, 133, 150, 168, 187, 207, 228, 250, 273, 297, 322, 348, 375, 403, 432, 462, 493, 525, 558, 592, 627, 663, 700, 738, 777, 817, 858, 900, 903, 907, 912, 918, 925, 933, 942, 952, 963, 975, 988, 1002, 1017, 1023, 1, 5, 10, 16, 23, 31, 40, 50, 61, 73, 86, 100, 115, 131, 148, 166, 185, 205, 226, 248, 271, 295, 320, 346, 373, 401, 430, 460, 491, 523, 556, 590, 625, 661, 698, 736, 775, 815, 856, 898, 901, 905, 910, 916, 923, 931]


def setup_inputs(seed: int = 0) -> dict:
    key = jax.random.key(seed)
    x = jax.random.normal(key, (16384, 1024), dtype=jnp.float32)
    column_indices = jnp.asarray(np.array(_COLUMN_INDICES, dtype=np.int64))
    return {"x": x, "column_indices": column_indices}


def reference(x, column_indices):
    # ArrayFeatureExtractor.forward: indices are non-contiguous, so the
    # torch.index_select(x, 1, column_indices) branch is taken.
    if x.ndim == 1:
        x = x.reshape(1, -1)
    return jnp.take(x, column_indices, axis=1)

if __name__ == "__main__":
    import jax
    _d = setup_inputs()
    print(jax.jit(kernel)(*tuple(_d.values())))

</pallas_src>

<mosaic_0001>
#map = affine_map<(d0, d1) -> (0, 0)>
#map1 = affine_map<(d0, d1) -> (0)>
module attributes {stable_mosaic.version = 14 : i64} {
  func.func @_sc_gather(%arg0: i32, %arg1: i32, %arg2: memref<16384x1024xf32, #tpu.memory_space<hbm>>, %arg3: memref<100xi32, #tpu.memory_space<hbm>>, %arg4: memref<100x16384xf32, #tpu.memory_space<hbm>>, %arg5: memref<112xi32, #tpu.memory_space<vmem>>, %arg6: memref<16x1024xf32, #tpu.memory_space<vmem>>, %arg7: memref<16x1024xf32, #tpu.memory_space<vmem>>, %arg8: memref<16x1024xf32, #tpu.memory_space<vmem>>, %arg9: memref<16x1024xf32, #tpu.memory_space<vmem>>, %arg10: memref<1808xf32, #tpu.memory_space<vmem>>, %arg11: memref<51200xf32, #tpu.memory_space<vmem>>, %arg12: memref<!tpu.dma_semaphore, #tpu.memory_space<semaphore_mem>>, %arg13: memref<!tpu.dma_semaphore, #tpu.memory_space<semaphore_mem>>, %arg14: memref<!tpu.dma_semaphore, #tpu.memory_space<semaphore_mem>>, %arg15: memref<!tpu.dma_semaphore, #tpu.memory_space<semaphore_mem>>, %arg16: memref<!tpu.dma_semaphore, #tpu.memory_space<semaphore_mem>>) attributes {dimension_semantics = [#tpu.dimension_semantics<core_parallel>, #tpu.dimension_semantics<subcore_parallel>], iteration_bounds = array<i64: 2, 16>, scalar_prefetch = 0 : i64, scratch_operands = 12 : i64, tpu.core_type = #tpu.core_type<sc_vector_subcore>, window_params = [{transform_indices = #map}, {transform_indices = #map1}, {transform_indices = #map}]} {
    %mul3A = arith.constant 2 : i32
    %mul3A_0 = arith.muli %arg1, %mul3A : i32
    %add3A = arith.addi %mul3A_0, %arg0 : i32
    %mul3A_1 = arith.constant 512 : i32
    %mul3A_2 = arith.muli %add3A, %mul3A_1 : i32
    %iota3A = tpu.iota {dimensions = array<i32: 0>} : vector<16xi32>
    %broadcast_in_dim3A = arith.constant 0 : i32
    %broadcast_in_dim3A_3 = vector.broadcast %broadcast_in_dim3A : i32 to vector<16xi32>
    %swap3A = arith.constant 96 : index
    %swap3A_4 = tpu.vector_load %arg5[%swap3A] {strides = array<i32>} : memref<112xi32, #tpu.memory_space<vmem>>, vector<16xi32>,
    tpu.vector_store %arg5[%swap3A], %broadcast_in_dim3A_3 {strides = array<i32>} : memref<112xi32, #tpu.memory_space<vmem>>, vector<16xi32>,
    %dma_start3A = arith.constant 0 : i32
    %dma_start3A_5 = tpu.memref_slice %arg5[%dma_start3A] : memref<112xi32, #tpu.memory_space<vmem>> -> memref<100xi32, #tpu.memory_space<vmem>>
    %dma_start3A_6 = arith.constant 0 : i32
    %dma_start3A_7 = tpu.memref_slice %arg5[%dma_start3A_6] : memref<112xi32, #tpu.memory_space<vmem>> -> memref<100xi32, #tpu.memory_space<vmem>>
    tpu.enqueue_dma source(%arg3 : memref<100xi32, #tpu.memory_space<hbm>>) target(%dma_start3A_7 : memref<100xi32, #tpu.memory_space<vmem>>) target_semaphore(%arg12 : memref<!tpu.dma_semaphore, #tpu.memory_space<semaphore_mem>>)
    %dma_wait3A = arith.constant 0 : i32
    %dma_wait3A_8 = tpu.memref_slice %arg5[%dma_wait3A] : memref<112xi32, #tpu.memory_space<vmem>> -> memref<100xi32, #tpu.memory_space<vmem>>
    %dma_wait3A_9 = arith.constant 0 : i32
    %dma_wait3A_10 = tpu.memref_slice %arg5[%dma_wait3A_9] : memref<112xi32, #tpu.memory_space<vmem>> -> memref<100xi32, #tpu.memory_space<vmem>>
    tpu.wait_dma2 semaphore(%arg12 : memref<!tpu.dma_semaphore, #tpu.memory_space<semaphore_mem>>) src(%arg3 : memref<100xi32, #tpu.memory_space<hbm>>) dst(%dma_wait3A_10 : memref<100xi32, #tpu.memory_space<vmem>>)
    %get3A = arith.constant 0 : index
    %get3A_11 = tpu.vector_load %arg5[%get3A] {strides = array<i32>} : memref<112xi32, #tpu.memory_space<vmem>>, vector<16xi32>,
    %get3A_12 = arith.constant 16 : index
    %get3A_13 = tpu.vector_load %arg5[%get3A_12] {strides = array<i32>} : memref<112xi32, #tpu.memory_space<vmem>>, vector<16xi32>,
    %get3A_14 = arith.constant 32 : index
    %get3A_15 = tpu.vector_load %arg5[%get3A_14] {strides = array<i32>} : memref<112xi32, #tpu.memory_space<vmem>>, vector<16xi32>,
    %get3A_16 = arith.constant 48 : index
    %get3A_17 = tpu.vector_load %arg5[%get3A_16] {strides = array<i32>} : memref<112xi32, #tpu.memory_space<vmem>>, vector<16xi32>,
    %get3A_18 = arith.constant 64 : index
    %get3A_19 = tpu.vector_load %arg5[%get3A_18] {strides = array<i32>} : memref<112xi32, #tpu.memory_space<vmem>>, vector<16xi32>,
    %get3A_20 = arith.constant 80 : index
    %get3A_21 = tpu.vector_load %arg5[%get3A_20] {strides = array<i32>} : memref<112xi32, #tpu.memory_space<vmem>>, vector<16xi32>,
    %get3A_22 = arith.constant 96 : index
    %get3A_23 = tpu.vector_load %arg5[%get3A_22] {strides = array<i32>} : memref<112xi32, #tpu.memory_space<vmem>>, vector<16xi32>,
    %mul3A_24 = arith.constant 113 : i32
    %mul3A_25 = vector.broadcast %mul3A_24 : i32 to vector<16xi32>
    %mul3A_26 = arith.muli %iota3A, %mul3A_25 : vector<16xi32>
    %add3A_27 = arith.constant 0 : i32
    %add3A_28 = arith.addi %mul3A_2, %add3A_27 : i32
    %dma_start3A_29 = arith.constant 0 : i32
    %dma_start3A_30 = tpu.memref_slice %arg2[%add3A_28, %dma_start3A_29] : memref<16384x1024xf32, #tpu.memory_space<hbm>> -> memref<16x1024xf32, #tpu.memory_space<hbm>>
    %dma_start3A_31 = arith.constant 0 : i32
    %dma_start3A_32 = tpu.memref_slice %arg2[%add3A_28, %dma_start3A_31] : memref<16384x1024xf32, #tpu.memory_space<hbm>> -> memref<16x1024xf32, #tpu.memory_space<hbm>>
    tpu.enqueue_dma source(%dma_start3A_32 : memref<16x1024xf32, #tpu.memory_space<hbm>>) target(%arg6 : memref<16x1024xf32, #tpu.memory_space<vmem>>) target_semaphore(%arg12 : memref<!tpu.dma_semaphore, #tpu.memory_space<semaphore_mem>>)
    %add3A_33 = arith.constant 16 : i32
    %add3A_34 = arith.addi %mul3A_2, %add3A_33 : i32
    %dma_start3A_35 = arith.constant 0 : i32
    %dma_start3A_36 = tpu.memref_slice %arg2[%add3A_34, %dma_start3A_35] : memref<16384x1024xf32, #tpu.memory_space<hbm>> -> memref<16x1024xf32, #tpu.memory_space<hbm>>
    %dma_start3A_37 = arith.constant 0 : i32
    %dma_start3A_38 = tpu.memref_slice %arg2[%add3A_34, %dma_start3A_37] : memref<16384x1024xf32, #tpu.memory_space<hbm>> -> memref<16x1024xf32, #tpu.memory_space<hbm>>
    tpu.enqueue_dma source(%dma_start3A_38 : memref<16x1024xf32, #tpu.memory_space<hbm>>) target(%arg7 : memref<16x1024xf32, #tpu.memory_space<vmem>>) target_semaphore(%arg13 : memref<!tpu.dma_semaphore, #tpu.memory_space<semaphore_mem>>)
    %add3A_39 = arith.constant 32 : i32
    %add3A_40 = arith.addi %mul3A_2, %add3A_39 : i32
    %dma_start3A_41 = arith.constant 0 : i32
    %dma_start3A_42 = tpu.memref_slice %arg2[%add3A_40, %dma_start3A_41] : memref<16384x1024xf32, #tpu.memory_space<hbm>> -> memref<16x1024xf32, #tpu.memory_space<hbm>>
    %dma_start3A_43 = arith.constant 0 : i32
    %dma_start3A_44 = tpu.memref_slice %arg2[%add3A_40, %dma_start3A_43] : memref<16384x1024xf32, #tpu.memory_space<hbm>> -> memref<16x1024xf32, #tpu.memory_space<hbm>>
    tpu.enqueue_dma source(%dma_start3A_44 : memref<16x1024xf32, #tpu.memory_space<hbm>>) target(%arg8 : memref<16x1024xf32, #tpu.memory_space<vmem>>) target_semaphore(%arg14 : memref<!tpu.dma_semaphore, #tpu.memory_space<semaphore_mem>>)
    %add3A_45 = arith.constant 48 : i32
    %add3A_46 = arith.addi %mul3A_2, %add3A_45 : i32
    %dma_start3A_47 = arith.constant 0 : i32
    %dma_start3A_48 = tpu.memref_slice %arg2[%add3A_46, %dma_start3A_47] : memref<16384x1024xf32, #tpu.memory_space<hbm>> -> memref<16x1024xf32, #tpu.memory_space<hbm>>
    %dma_start3A_49 = arith.constant 0 : i32
    %dma_start3A_50 = tpu.memref_slice %arg2[%add3A_46, %dma_start3A_49] : memref<16384x1024xf32, #tpu.memory_space<hbm>> -> memref<16x1024xf32, #tpu.memory_space<hbm>>
    tpu.enqueue_dma source(%dma_start3A_50 : memref<16x1024xf32, #tpu.memory_space<hbm>>) target(%arg9 : memref<16x1024xf32, #tpu.memory_space<vmem>>) target_semaphore(%arg15 : memref<!tpu.dma_semaphore, #tpu.memory_space<semaphore_mem>>)
    %scan3A = arith.constant 0 : i32
    %scan3A_51 = arith.constant 8 : i32
    %scan3A_52 = arith.addi %scan3A, %scan3A_51 : i32
    %scan3A_53 = arith.constant 1 : i32
    scf.for %scan3A_65 = %scan3A to %scan3A_52 step %scan3A_53  : i32 {
      %mul3A_66 = arith.constant 4 : i32
      %mul3A_67 = arith.muli %scan3A_65, %mul3A_66 : i32
      %add3A_68 = arith.constant 0 : i32
      %add3A_69 = arith.addi %add3A_68, %mul3A_67 : i32
      %add3A_70 = arith.constant 0 : i32
      %add3A_71 = arith.addi %add3A_69, %add3A_70 : i32
      %mul3A_72 = arith.constant 16 : i32
      %mul3A_73 = arith.muli %add3A_71, %mul3A_72 : i32
      %add3A_74 = arith.addi %mul3A_2, %mul3A_73 : i32
      %dma_wait3A_75 = arith.constant 0 : i32
      %dma_wait3A_76 = tpu.memref_slice %arg2[%add3A_74, %dma_wait3A_75] : memref<16384x1024xf32, #tpu.memory_space<hbm>> -> memref<16x1024xf32, #tpu.memory_space<hbm>>
      %dma_wait3A_77 = arith.constant 0 : i32
      %dma_wait3A_78 = tpu.memref_slice %arg2[%add3A_74, %dma_wait3A_77] : memref<16384x1024xf32, #tpu.memory_space<hbm>> -> memref<16x1024xf32, #tpu.memory_space<hbm>>
      tpu.wait_dma2 semaphore(%arg12 : memref<!tpu.dma_semaphore, #tpu.memory_space<semaphore_mem>>) src(%dma_wait3A_78 : memref<16x1024xf32, #tpu.memory_space<hbm>>) dst(%arg6 : memref<16x1024xf32, #tpu.memory_space<vmem>>)
      %mul3A_79 = arith.constant 16 : i32
      %mul3A_80 = arith.muli %add3A_71, %mul3A_79 : i32
      %parallel_loop3A = arith.constant 0 : i32
      %parallel_loop3A_81 = arith.constant 16 : i32
      %parallel_loop3A_82 = arith.constant 1 : i32
      scf.for %parallel_loop3A_162 = %parallel_loop3A to %parallel_loop3A_81 step %parallel_loop3A_82  : i32 {
        %parallel_loop3A_163 = vector.broadcast %parallel_loop3A_162 : i32 to vector<16xi32>
        %parallel_loop3A_164 = arith.constant 113 : i32
        %parallel_loop3A_165 = arith.muli %parallel_loop3A_162, %parallel_loop3A_164 : i32
        %parallel_loop3A_166 = tpu.vector_load_idx %arg6[%parallel_loop3A_163, %get3A_11] : memref<16x1024xf32, #tpu.memory_space<vmem>>[vector<16xi32>, vector<16xi32>], vector<16xf32>,
        %parallel_loop3A_167 = arith.constant 0 : i32
        %parallel_loop3A_168 = arith.addi %parallel_loop3A_165, %parallel_loop3A_167 : i32
        %parallel_loop3A_169 = arith.index_cast %parallel_loop3A_168 : i32 to index
        %parallel_loop3A_170 = tpu.vector_load %arg10[%parallel_loop3A_169] {strides = array<i32>} : memref<1808xf32, #tpu.memory_space<vmem>>, vector<16xf32>,
        tpu.vector_store %arg10[%parallel_loop3A_169], %parallel_loop3A_166 {strides = array<i32>} : memref<1808xf32, #tpu.memory_space<vmem>>, vector<16xf32>,
        %parallel_loop3A_171 = tpu.vector_load_idx %arg6[%parallel_loop3A_163, %get3A_13] : memref<16x1024xf32, #tpu.memory_space<vmem>>[vector<16xi32>, vector<16xi32>], vector<16xf32>,
        %parallel_loop3A_172 = arith.constant 16 : i32
        %parallel_loop3A_173 = arith.addi %parallel_loop3A_165, %parallel_loop3A_172 : i32
        %parallel_loop3A_174 = arith.index_cast %parallel_loop3A_173 : i32 to index
        %parallel_loop3A_175 = tpu.vector_load %arg10[%parallel_loop3A_174] {strides = array<i32>} : memref<1808xf32, #tpu.memory_space<vmem>>, vector<16xf32>,
        tpu.vector_store %arg10[%parallel_loop3A_174], %parallel_loop3A_171 {strides = array<i32>} : memref<1808xf32, #tpu.memory_space<vmem>>, vector<16xf32>,
        %parallel_loop3A_176 = tpu.vector_load_idx %arg6[%parallel_loop3A_163, %get3A_15] : memref<16x1024xf32, #tpu.memory_space<vmem>>[vector<16xi32>, vector<16xi32>], vector<16xf32>,
        %parallel_loop3A_177 = arith.constant 32 : i32
        %parallel_loop3A_178 = arith.addi %parallel_loop3A_165, %parallel_loop3A_177 : i32
        %parallel_loop3A_179 = arith.index_cast %parallel_loop3A_178 : i32 to index
        %parallel_loop3A_180 = tpu.vector_load %arg10[%parallel_loop3A_179] {strides = array<i32>} : memref<1808xf32, #tpu.memory_space<vmem>>, vector<16xf32>,
        tpu.vector_store %arg10[%parallel_loop3A_179], %parallel_loop3A_176 {strides = array<i32>} : memref<1808xf32, #tpu.memory_space<vmem>>, vector<16xf32>,
        %parallel_loop3A_181 = tpu.vector_load_idx %arg6[%parallel_loop3A_163, %get3A_17] : memref<16x1024xf32, #tpu.memory_space<vmem>>[vector<16xi32>, vector<16xi32>], vector<16xf32>,
        %parallel_loop3A_182 = arith.constant 48 : i32
        %parallel_loop3A_183 = arith.addi %parallel_loop3A_165, %parallel_loop3A_182 : i32
        %parallel_loop3A_184 = arith.index_cast %parallel_loop3A_183 : i32 to index
        %parallel_loop3A_185 = tpu.vector_load %arg10[%parallel_loop3A_184] {strides = array<i32>} : memref<1808xf32, #tpu.memory_space<vmem>>, vector<16xf32>,
        tpu.vector_store %arg10[%parallel_loop3A_184], %parallel_loop3A_181 {strides = array<i32>} : memref<1808xf32, #tpu.memory_space<vmem>>, vector<16xf32>,
        %parallel_loop3A_186 = tpu.vector_load_idx %arg6[%parallel_loop3A_163, %get3A_19] : memref<16x1024xf32, #tpu.memory_space<vmem>>[vector<16xi32>, vector<16xi32>], vector<16xf32>,
        %parallel_loop3A_187 = arith.constant 64 : i32
        %parallel_loop3A_188 = arith.addi %parallel_loop3A_165, %parallel_loop3A_187 : i32
        %parallel_loop3A_189 = arith.index_cast %parallel_loop3A_188 : i32 to index
        %parallel_loop3A_190 = tpu.vector_load %arg10[%parallel_loop3A_189] {strides = array<i32>} : memref<1808xf32, #tpu.memory_space<vmem>>, vector<16xf32>,
        tpu.vector_store %arg10[%parallel_loop3A_189], %parallel_loop3A_186 {strides = array<i32>} : memref<1808xf32, #tpu.memory_space<vmem>>, vector<16xf32>,
        %parallel_loop3A_191 = tpu.vector_load_idx %arg6[%parallel_loop3A_163, %get3A_21] : memref<16x1024xf32, #tpu.memory_space<vmem>>[vector<16xi32>, vector<16xi32>], vector<16xf32>,
        %parallel_loop3A_192 = arith.constant 80 : i32
        %parallel_loop3A_193 = arith.addi %parallel_loop3A_165, %parallel_loop3A_192 : i32
        %parallel_loop3A_194 = arith.index_cast %parallel_loop3A_193 : i32 to index
        %parallel_loop3A_195 = tpu.vector_load %arg10[%parallel_loop3A_194] {strides = array<i32>} : memref<1808xf32, #tpu.memory_space<vmem>>, vector<16xf32>,
        tpu.vector_store %arg10[%parallel_loop3A_194], %parallel_loop3A_191 {strides = array<i32>} : memref<1808xf32, #tpu.memory_space<vmem>>, vector<16xf32>,
        %parallel_loop3A_196 = tpu.vector_load_idx %arg6[%parallel_loop3A_163, %get3A_23] : memref<16x1024xf32, #tpu.memory_space<vmem>>[vector<16xi32>, vector<16xi32>], vector<16xf32>,
        %parallel_loop3A_197 = arith.constant 96 : i32
        %parallel_loop3A_198 = arith.addi %parallel_loop3A_165, %parallel_loop3A_197 : i32
        %parallel_loop3A_199 = arith.index_cast %parallel_loop3A_198 : i32 to index
        %parallel_loop3A_200 = tpu.vector_load %arg10[%parallel_loop3A_199] {strides = array<i32>} : memref<1808xf32, #tpu.memory_space<vmem>>, vector<16xf32>,
        tpu.vector_store %arg10[%parallel_loop3A_199], %parallel_loop3A_196 {strides = array<i32>} : memref<1808xf32, #tpu.memory_space<vmem>>, vector<16xf32>,
      } {sc.loop_unroll_factor = 4 : i64, sc.parallel_access}
      %parallel_loop3A_83 = arith.constant 0 : i32
      %parallel_loop3A_84 = arith.constant 100 : i32
      %parallel_loop3A_85 = arith.constant 1 : i32
      scf.for %parallel_loop3A_162 = %parallel_loop3A_83 to %parallel_loop3A_84 step %parallel_loop3A_85  : i32 {
        %parallel_loop3A_163 = arith.constant 512 : i32
        %parallel_loop3A_164 = arith.muli %parallel_loop3A_162, %parallel_loop3A_163 : i32
        %parallel_loop3A_165 = arith.addi %parallel_loop3A_164, %mul3A_80 : i32
        %parallel_loop3A_166 = arith.constant 0 : i32
        %parallel_loop3A_167 = vector.broadcast %parallel_loop3A_166 : i32 to vector<16xi32>
        %parallel_loop3A_168 = arith.addi %parallel_loop3A_167, %mul3A_26 : vector<16xi32>
        %parallel_loop3A_169 = vector.broadcast %parallel_loop3A_162 : i32 to vector<16xi32>
        %parallel_loop3A_170 = arith.addi %parallel_loop3A_168, %parallel_loop3A_169 : vector<16xi32>
        %parallel_loop3A_171 = tpu.vector_load_idx %arg10[%parallel_loop3A_170] : memref<1808xf32, #tpu.memory_space<vmem>>[vector<16xi32>], vector<16xf32>,
        %parallel_loop3A_172 = arith.constant 0 : i32
        %parallel_loop3A_173 = arith.addi %parallel_loop3A_165, %parallel_loop3A_172 : i32
        %parallel_loop3A_174 = arith.index_cast %parallel_loop3A_173 : i32 to index
        %parallel_loop3A_175 = tpu.vector_load %arg11[%parallel_loop3A_174] {strides = array<i32>} : memref<51200xf32, #tpu.memory_space<vmem>>, vector<16xf32>,
        tpu.vector_store %arg11[%parallel_loop3A_174], %parallel_loop3A_171 {strides = array<i32>} : memref<51200xf32, #tpu.memory_space<vmem>>, vector<16xf32>,
      } {sc.loop_unroll_factor = 4 : i64, sc.parallel_access}
      %add3A_86 = arith.constant 4 : i32
      %add3A_87 = arith.addi %add3A_71, %add3A_86 : i32
      %lt3A = arith.constant 32 : i32
      %lt3A_88 = arith.cmpi slt, %add3A_87, %lt3A : i32
      %convert_element_type3A = arith.extui %lt3A_88 : i1 to i32
      %cond3A = arith.constant 0 : i32
      %cond3A_89 = arith.cmpi ne, %convert_element_type3A, %cond3A : i32
      scf.if %cond3A_89 {
        %add3A_162 = arith.constant 4 : i32
        %add3A_163 = arith.addi %add3A_71, %add3A_162 : i32
        %mul3A_164 = arith.constant 16 : i32
        %mul3A_165 = arith.muli %add3A_163, %mul3A_164 : i32
        %add3A_166 = arith.addi %mul3A_2, %mul3A_165 : i32
        %dma_start3A_167 = arith.constant 0 : i32
        %dma_start3A_168 = tpu.memref_slice %arg2[%add3A_166, %dma_start3A_167] : memref<16384x1024xf32, #tpu.memory_space<hbm>> -> memref<16x1024xf32, #tpu.memory_space<hbm>>
        %dma_start3A_169 = arith.constant 0 : i32
        %dma_start3A_170 = tpu.memref_slice %arg2[%add3A_166, %dma_start3A_169] : memref<16384x1024xf32, #tpu.memory_space<hbm>> -> memref<16x1024xf32, #tpu.memory_space<hbm>>
        tpu.enqueue_dma source(%dma_start3A_170 : memref<16x1024xf32, #tpu.memory_space<hbm>>) target(%arg6 : memref<16x1024xf32, #tpu.memory_space<vmem>>) target_semaphore(%arg12 : memref<!tpu.dma_semaphore, #tpu.memory_space<semaphore_mem>>)
      } else {
      }
      %add3A_90 = arith.constant 1 : i32
      %add3A_91 = arith.addi %add3A_69, %add3A_90 : i32
      %mul3A_92 = arith.constant 16 : i32
      %mul3A_93 = arith.muli %add3A_91, %mul3A_92 : i32
      %add3A_94 = arith.addi %mul3A_2, %mul3A_93 : i32
      %dma_wait3A_95 = arith.constant 0 : i32
      %dma_wait3A_96 = tpu.memref_slice %arg2[%add3A_94, %dma_wait3A_95] : memref<16384x1024xf32, #tpu.memory_space<hbm>> -> memref<16x1024xf32, #tpu.memory_space<hbm>>
      %dma_wait3A_97 = arith.constant 0 : i32
      %dma_wait3A_98 = tpu.memref_slice %arg2[%add3A_94, %dma_wait3A_97] : memref<16384x1024xf32, #tpu.memory_space<hbm>> -> memref<16x1024xf32, #tpu.memory_space<hbm>>
      tpu.wait_dma2 semaphore(%arg13 : memref<!tpu.dma_semaphore, #tpu.memory_space<semaphore_mem>>) src(%dma_wait3A_98 : memref<16x1024xf32, #tpu.memory_space<hbm>>) dst(%arg7 : memref<16x1024xf32, #tpu.memory_space<vmem>>)
      %mul3A_99 = arith.constant 16 : i32
      %mul3A_100 = arith.muli %add3A_91, %mul3A_99 : i32
      %parallel_loop3A_101 = arith.constant 0 : i32
      %parallel_loop3A_102 = arith.constant 16 : i32
      %parallel_loop3A_103 = arith.constant 1 : i32
      scf.for %parallel_loop3A_162 = %parallel_loop3A_101 to %parallel_loop3A_102 step %parallel_loop3A_103  : i32 {
        %parallel_loop3A_163 = vector.broadcast %parallel_loop3A_162 : i32 to vector<16xi32>
        %parallel_loop3A_164 = arith.constant 113 : i32
        %parallel_loop3A_165 = arith.muli %parallel_loop3A_162, %parallel_loop3A_164 : i32
        %parallel_loop3A_166 = tpu.vector_load_idx %arg7[%parallel_loop3A_163, %get3A_11] : memref<16x1024xf32, #tpu.memory_space<vmem>>[vector<16xi32>, vector<16xi32>], vector<16xf32>,
        %parallel_loop3A_167 = arith.constant 0 : i32
        %parallel_loop3A_168 = arith.addi %parallel_loop3A_165, %parallel_loop3A_167 : i32
        %parallel_loop3A_169 = arith.index_cast %parallel_loop3A_168 : i32 to index
        %parallel_loop3A_170 = tpu.vector_load %arg10[%parallel_loop3A_169] {strides = array<i32>} : memref<1808xf32, #tpu.memory_space<vmem>>, vector<16xf32>,
        tpu.vector_store %arg10[%parallel_loop3A_169], %parallel_loop3A_166 {strides = array<i32>} : memref<1808xf32, #tpu.memory_space<vmem>>, vector<16xf32>,
        %parallel_loop3A_171 = tpu.vector_load_idx %arg7[%parallel_loop3A_163, %get3A_13] : memref<16x1024xf32, #tpu.memory_space<vmem>>[vector<16xi32>, vector<16xi32>], vector<16xf32>,
        %parallel_loop3A_172 = arith.constant 16 : i32
        %parallel_loop3A_173 = arith.addi %parallel_loop3A_165, %parallel_loop3A_172 : i32
        %parallel_loop3A_174 = arith.index_cast %parallel_loop3A_173 : i32 to index
        %parallel_loop3A_175 = tpu.vector_load %arg10[%parallel_loop3A_174] {strides = array<i32>} : memref<1808xf32, #tpu.memory_space<vmem>>, vector<16xf32>,
        tpu.vector_store %arg10[%parallel_loop3A_174], %parallel_loop3A_171 {strides = array<i32>} : memref<1808xf32, #tpu.memory_space<vmem>>, vector<16xf32>,
        %parallel_loop3A_176 = tpu.vector_load_idx %arg7[%parallel_loop3A_163, %get3A_15] : memref<16x1024xf32, #tpu.memory_space<vmem>>[vector<16xi32>, vector<16xi32>], vector<16xf32>,
        %parallel_loop3A_177 = arith.constant 32 : i32
        %parallel_loop3A_178 = arith.addi %parallel_loop3A_165, %parallel_loop3A_177 : i32
        %parallel_loop3A_179 = arith.index_cast %parallel_loop3A_178 : i32 to index
        %parallel_loop3A_180 = tpu.vector_load %arg10[%parallel_loop3A_179] {strides = array<i32>} : memref<1808xf32, #tpu.memory_space<vmem>>, vector<16xf32>,
        tpu.vector_store %arg10[%parallel_loop3A_179], %parallel_loop3A_176 {strides = array<i32>} : memref<1808xf32, #tpu.memory_space<vmem>>, vector<16xf32>,
        %parallel_loop3A_181 = tpu.vector_load_idx %arg7[%parallel_loop3A_163, %get3A_17] : memref<16x1024xf32, #tpu.memory_space<vmem>>[vector<16xi32>, vector<16xi32>], vector<16xf32>,
        %parallel_loop3A_182 = arith.constant 48 : i32
        %parallel_loop3A_183 = arith.addi %parallel_loop3A_165, %parallel_loop3A_182 : i32
        %parallel_loop3A_184 = arith.index_cast %parallel_loop3A_183 : i32 to index
        %parallel_loop3A_185 = tpu.vector_load %arg10[%parallel_loop3A_184] {strides = array<i32>} : memref<1808xf32, #tpu.memory_space<vmem>>, vector<16xf32>,
        tpu.vector_store %arg10[%parallel_loop3A_184], %parallel_loop3A_181 {strides = array<i32>} : memref<1808xf32, #tpu.memory_space<vmem>>, vector<16xf32>,
        %parallel_loop3A_186 = tpu.vector_load_idx %arg7[%parallel_loop3A_163, %get3A_19] : memref<16x1024xf32, #tpu.memory_space<vmem>>[vector<16xi32>, vector<16xi32>], vector<16xf32>,
        %parallel_loop3A_187 = arith.constant 64 : i32
        %parallel_loop3A_188 = arith.addi %parallel_loop3A_165, %parallel_loop3A_187 : i32
        %parallel_loop3A_189 = arith.index_cast %parallel_loop3A_188 : i32 to index
        %parallel_loop3A_190 = tpu.vector_load %arg10[%parallel_loop3A_189] {strides = array<i32>} : memref<1808xf32, #tpu.memory_space<vmem>>, vector<16xf32>,
        tpu.vector_store %arg10[%parallel_loop3A_189], %parallel_loop3A_186 {strides = array<i32>} : memref<1808xf32, #tpu.memory_space<vmem>>, vector<16xf32>,
        %parallel_loop3A_191 = tpu.vector_load_idx %arg7[%parallel_loop3A_163, %get3A_21] : memref<16x1024xf32, #tpu.memory_space<vmem>>[vector<16xi32>, vector<16xi32>], vector<16xf32>,
        %parallel_loop3A_192 = arith.constant 80 : i32
        %parallel_loop3A_193 = arith.addi %parallel_loop3A_165, %parallel_loop3A_192 : i32
        %parallel_loop3A_194 = arith.index_cast %parallel_loop3A_193 : i32 to index
        %parallel_loop3A_195 = tpu.vector_load %arg10[%parallel_loop3A_194] {strides = array<i32>} : memref<1808xf32, #tpu.memory_space<vmem>>, vector<16xf32>,
        tpu.vector_store %arg10[%parallel_loop3A_194], %parallel_loop3A_191 {strides = array<i32>} : memref<1808xf32, #tpu.memory_space<vmem>>, vector<16xf32>,
        %parallel_loop3A_196 = tpu.vector_load_idx %arg7[%parallel_loop3A_163, %get3A_23] : memref<16x1024xf32, #tpu.memory_space<vmem>>[vector<16xi32>, vector<16xi32>], vector<16xf32>,
        %parallel_loop3A_197 = arith.constant 96 : i32
        %parallel_loop3A_198 = arith.addi %parallel_loop3A_165, %parallel_loop3A_197 : i32
        %parallel_loop3A_199 = arith.index_cast %parallel_loop3A_198 : i32 to index
        %parallel_loop3A_200 = tpu.vector_load %arg10[%parallel_loop3A_199] {strides = array<i32>} : memref<1808xf32, #tpu.memory_space<vmem>>, vector<16xf32>,
        tpu.vector_store %arg10[%parallel_loop3A_199], %parallel_loop3A_196 {strides = array<i32>} : memref<1808xf32, #tpu.memory_space<vmem>>, vector<16xf32>,
      } {sc.loop_unroll_factor = 4 : i64, sc.parallel_access}
      %parallel_loop3A_104 = arith.constant 0 : i32
      %parallel_loop3A_105 = arith.constant 100 : i32
      %parallel_loop3A_106 = arith.constant 1 : i32
      scf.for %parallel_loop3A_162 = %parallel_loop3A_104 to %parallel_loop3A_105 step %parallel_loop3A_106  : i32 {
        %parallel_loop3A_163 = arith.constant 512 : i32
        %parallel_loop3A_164 = arith.muli %parallel_loop3A_162, %parallel_loop3A_163 : i32
        %parallel_loop3A_165 = arith.addi %parallel_loop3A_164, %mul3A_100 : i32
        %parallel_loop3A_166 = arith.constant 0 : i32
        %parallel_loop3A_167 = vector.broadcast %parallel_loop3A_166 : i32 to vector<16xi32>
        %parallel_loop3A_168 = arith.addi %parallel_loop3A_167, %mul3A_26 : vector<16xi32>
        %parallel_loop3A_169 = vector.broadcast %parallel_loop3A_162 : i32 to vector<16xi32>
        %parallel_loop3A_170 = arith.addi %parallel_loop3A_168, %parallel_loop3A_169 : vector<16xi32>
        %parallel_loop3A_171 = tpu.vector_load_idx %arg10[%parallel_loop3A_170] : memref<1808xf32, #tpu.memory_space<vmem>>[vector<16xi32>], vector<16xf32>,
        %parallel_loop3A_172 = arith.constant 0 : i32
        %parallel_loop3A_173 = arith.addi %parallel_loop3A_165, %parallel_loop3A_172 : i32
        %parallel_loop3A_174 = arith.index_cast %parallel_loop3A_173 : i32 to index
        %parallel_loop3A_175 = tpu.vector_load %arg11[%parallel_loop3A_174] {strides = array<i32>} : memref<51200xf32, #tpu.memory_space<vmem>>, vector<16xf32>,
        tpu.vector_store %arg11[%parallel_loop3A_174], %parallel_loop3A_171 {strides = array<i32>} : memref<51200xf32, #tpu.memory_space<vmem>>, vector<16xf32>,
      } {sc.loop_unroll_factor = 4 : i64, sc.parallel_access}
      %add3A_107 = arith.constant 4 : i32
      %add3A_108 = arith.addi %add3A_91, %add3A_107 : i32
      %lt3A_109 = arith.constant 32 : i32
      %lt3A_110 = arith.cmpi slt, %add3A_108, %lt3A_109 : i32
      %convert_element_type3A_111 = arith.extui %lt3A_110 : i1 to i32
      %cond3A_112 = arith.constant 0 : i32
      %cond3A_113 = arith.cmpi ne, %convert_element_type3A_111, %cond3A_112 : i32
      scf.if %cond3A_113 {
        %add3A_162 = arith.constant 4 : i32
        %add3A_163 = arith.addi %add3A_91, %add3A_162 : i32
        %mul3A_164 = arith.constant 16 : i32
        %mul3A_165 = arith.muli %add3A_163, %mul3A_164 : i32
        %add3A_166 = arith.addi %mul3A_2, %mul3A_165 : i32
        %dma_start3A_167 = arith.constant 0 : i32
        %dma_start3A_168 = tpu.memref_slice %arg2[%add3A_166, %dma_start3A_167] : memref<16384x1024xf32, #tpu.memory_space<hbm>> -> memref<16x1024xf32, #tpu.memory_space<hbm>>
        %dma_start3A_169 = arith.constant 0 : i32
        %dma_start3A_170 = tpu.memref_slice %arg2[%add3A_166, %dma_start3A_169] : memref<16384x1024xf32, #tpu.memory_space<hbm>> -> memref<16x1024xf32, #tpu.memory_space<hbm>>
        tpu.enqueue_dma source(%dma_start3A_170 : memref<16x1024xf32, #tpu.memory_space<hbm>>) target(%arg7 : memref<16x1024xf32, #tpu.memory_space<vmem>>) target_semaphore(%arg13 : memref<!tpu.dma_semaphore, #tpu.memory_space<semaphore_mem>>)
      } else {
      }
      %add3A_114 = arith.constant 2 : i32
      %add3A_115 = arith.addi %add3A_69, %add3A_114 : i32
      %mul3A_116 = arith.constant 16 : i32
      %mul3A_117 = arith.muli %add3A_115, %mul3A_116 : i32
      %add3A_118 = arith.addi %mul3A_2, %mul3A_117 : i32
      %dma_wait3A_119 = arith.constant 0 : i32
      %dma_wait3A_120 = tpu.memref_slice %arg2[%add3A_118, %dma_wait3A_119] : memref<16384x1024xf32, #tpu.memory_space<hbm>> -> memref<16x1024xf32, #tpu.memory_space<hbm>>
      %dma_wait3A_121 = arith.constant 0 : i32
      %dma_wait3A_122 = tpu.memref_slice %arg2[%add3A_118, %dma_wait3A_121] : memref<16384x1024xf32, #tpu.memory_space<hbm>> -> memref<16x1024xf32, #tpu.memory_space<hbm>>
      tpu.wait_dma2 semaphore(%arg14 : memref<!tpu.dma_semaphore, #tpu.memory_space<semaphore_mem>>) src(%dma_wait3A_122 : memref<16x1024xf32, #tpu.memory_space<hbm>>) dst(%arg8 : memref<16x1024xf32, #tpu.memory_space<vmem>>)
      %mul3A_123 = arith.constant 16 : i32
      %mul3A_124 = arith.muli %add3A_115, %mul3A_123 : i32
      %parallel_loop3A_125 = arith.constant 0 : i32
      %parallel_loop3A_126 = arith.constant 16 : i32
      %parallel_loop3A_127 = arith.constant 1 : i32
      scf.for %parallel_loop3A_162 = %parallel_loop3A_125 to %parallel_loop3A_126 step %parallel_loop3A_127  : i32 {
        %parallel_loop3A_163 = vector.broadcast %parallel_loop3A_162 : i32 to vector<16xi32>
        %parallel_loop3A_164 = arith.constant 113 : i32
        %parallel_loop3A_165 = arith.muli %parallel_loop3A_162, %parallel_loop3A_164 : i32
        %parallel_loop3A_166 = tpu.vector_load_idx %arg8[%parallel_loop3A_163, %get3A_11] : memref<16x1024xf32, #tpu.memory_space<vmem>>[vector<16xi32>, vector<16xi32>], vector<16xf32>,
        %parallel_loop3A_167 = arith.constant 0 : i32
        %parallel_loop3A_168 = arith.addi %parallel_loop3A_165, %parallel_loop3A_167 : i32
        %parallel_loop3A_169 = arith.index_cast %parallel_loop3A_168 : i32 to index
        %parallel_loop3A_170 = tpu.vector_load %arg10[%parallel_loop3A_169] {strides = array<i32>} : memref<1808xf32, #tpu.memory_space<vmem>>, vector<16xf32>,
        tpu.vector_store %arg10[%parallel_loop3A_169], %parallel_loop3A_166 {strides = array<i32>} : memref<1808xf32, #tpu.memory_space<vmem>>, vector<16xf32>,
        %parallel_loop3A_171 = tpu.vector_load_idx %arg8[%parallel_loop3A_163, %get3A_13] : memref<16x1024xf32, #tpu.memory_space<vmem>>[vector<16xi32>, vector<16xi32>], vector<16xf32>,
        %parallel_loop3A_172 = arith.constant 16 : i32
        %parallel_loop3A_173 = arith.addi %parallel_loop3A_165, %parallel_loop3A_172 : i32
        %parallel_loop3A_174 = arith.index_cast %parallel_loop3A_173 : i32 to index
        %parallel_loop3A_175 = tpu.vector_load %arg10[%parallel_loop3A_174] {strides = array<i32>} : memref<1808xf32, #tpu.memory_space<vmem>>, vector<16xf32>,
        tpu.vector_store %arg10[%parallel_loop3A_174], %parallel_loop3A_171 {strides = array<i32>} : memref<1808xf32, #tpu.memory_space<vmem>>, vector<16xf32>,
        %parallel_loop3A_176 = tpu.vector_load_idx %arg8[%parallel_loop3A_163, %get3A_15] : memref<16x1024xf32, #tpu.memory_space<vmem>>[vector<16xi32>, vector<16xi32>], vector<16xf32>,
        %parallel_loop3A_177 = arith.constant 32 : i32
        %parallel_loop3A_178 = arith.addi %parallel_loop3A_165, %parallel_loop3A_177 : i32
        %parallel_loop3A_179 = arith.index_cast %parallel_loop3A_178 : i32 to index
        %parallel_loop3A_180 = tpu.vector_load %arg10[%parallel_loop3A_179] {strides = array<i32>} : memref<1808xf32, #tpu.memory_space<vmem>>, vector<16xf32>,
        tpu.vector_store %arg10[%parallel_loop3A_179], %parallel_loop3A_176 {strides = array<i32>} : memref<1808xf32, #tpu.memory_space<vmem>>, vector<16xf32>,
        %parallel_loop3A_181 = tpu.vector_load_idx %arg8[%parallel_loop3A_163, %get3A_17] : memref<16x1024xf32, #tpu.memory_space<vmem>>[vector<16xi32>, vector<16xi32>], vector<16xf32>,
        %parallel_loop3A_182 = arith.constant 48 : i32
        %parallel_loop3A_183 = arith.addi %parallel_loop3A_165, %parallel_loop3A_182 : i32
        %parallel_loop3A_184 = arith.index_cast %parallel_loop3A_183 : i32 to index
        %parallel_loop3A_185 = tpu.vector_load %arg10[%parallel_loop3A_184] {strides = array<i32>} : memref<1808xf32, #tpu.memory_space<vmem>>, vector<16xf32>,
        tpu.vector_store %arg10[%parallel_loop3A_184], %parallel_loop3A_181 {strides = array<i32>} : memref<1808xf32, #tpu.memory_space<vmem>>, vector<16xf32>,
        %parallel_loop3A_186 = tpu.vector_load_idx %arg8[%parallel_loop3A_163, %get3A_19] : memref<16x1024xf32, #tpu.memory_space<vmem>>[vector<16xi32>, vector<16xi32>], vector<16xf32>,
        %parallel_loop3A_187 = arith.constant 64 : i32
        %parallel_loop3A_188 = arith.addi %parallel_loop3A_165, %parallel_loop3A_187 : i32
        %parallel_loop3A_189 = arith.index_cast %parallel_loop3A_188 : i32 to index
        %parallel_loop3A_190 = tpu.vector_load %arg10[%parallel_loop3A_189] {strides = array<i32>} : memref<1808xf32, #tpu.memory_space<vmem>>, vector<16xf32>,
        tpu.vector_store %arg10[%parallel_loop3A_189], %parallel_loop3A_186 {strides = array<i32>} : memref<1808xf32, #tpu.memory_space<vmem>>, vector<16xf32>,
        %parallel_loop3A_191 = tpu.vector_load_idx %arg8[%parallel_loop3A_163, %get3A_21] : memref<16x1024xf32, #tpu.memory_space<vmem>>[vector<16xi32>, vector<16xi32>], vector<16xf32>,
        %parallel_loop3A_192 = arith.constant 80 : i32
        %parallel_loop3A_193 = arith.addi %parallel_loop3A_165, %parallel_loop3A_192 : i32
        %parallel_loop3A_194 = arith.index_cast %parallel_loop3A_193 : i32 to index
        %parallel_loop3A_195 = tpu.vector_load %arg10[%parallel_loop3A_194] {strides = array<i32>} : memref<1808xf32, #tpu.memory_space<vmem>>, vector<16xf32>,
        tpu.vector_store %arg10[%parallel_loop3A_194], %parallel_loop3A_191 {strides = array<i32>} : memref<1808xf32, #tpu.memory_space<vmem>>, vector<16xf32>,
        %parallel_loop3A_196 = tpu.vector_load_idx %arg8[%parallel_loop3A_163, %get3A_23] : memref<16x1024xf32, #tpu.memory_space<vmem>>[vector<16xi32>, vector<16xi32>], vector<16xf32>,
        %parallel_loop3A_197 = arith.constant 96 : i32
        %parallel_loop3A_198 = arith.addi %parallel_loop3A_165, %parallel_loop3A_197 : i32
        %parallel_loop3A_199 = arith.index_cast %parallel_loop3A_198 : i32 to index
        %parallel_loop3A_200 = tpu.vector_load %arg10[%parallel_loop3A_199] {strides = array<i32>} : memref<1808xf32, #tpu.memory_space<vmem>>, vector<16xf32>,
        tpu.vector_store %arg10[%parallel_loop3A_199], %parallel_loop3A_196 {strides = array<i32>} : memref<1808xf32, #tpu.memory_space<vmem>>, vector<16xf32>,
      } {sc.loop_unroll_factor = 4 : i64, sc.parallel_access}
      %parallel_loop3A_128 = arith.constant 0 : i32
      %parallel_loop3A_129 = arith.constant 100 : i32
      %parallel_loop3A_130 = arith.constant 1 : i32
      scf.for %parallel_loop3A_162 = %parallel_loop3A_128 to %parallel_loop3A_129 step %parallel_loop3A_130  : i32 {
        %parallel_loop3A_163 = arith.constant 512 : i32
        %parallel_loop3A_164 = arith.muli %parallel_loop3A_162, %parallel_loop3A_163 : i32
        %parallel_loop3A_165 = arith.addi %parallel_loop3A_164, %mul3A_124 : i32
        %parallel_loop3A_166 = arith.constant 0 : i32
        %parallel_loop3A_167 = vector.broadcast %parallel_loop3A_166 : i32 to vector<16xi32>
        %parallel_loop3A_168 = arith.addi %parallel_loop3A_167, %mul3A_26 : vector<16xi32>
        %parallel_loop3A_169 = vector.broadcast %parallel_loop3A_162 : i32 to vector<16xi32>
        %parallel_loop3A_170 = arith.addi %parallel_loop3A_168, %parallel_loop3A_169 : vector<16xi32>
        %parallel_loop3A_171 = tpu.vector_load_idx %arg10[%parallel_loop3A_170] : memref<1808xf32, #tpu.memory_space<vmem>>[vector<16xi32>], vector<16xf32>,
        %parallel_loop3A_172 = arith.constant 0 : i32
        %parallel_loop3A_173 = arith.addi %parallel_loop3A_165, %parallel_loop3A_172 : i32
        %parallel_loop3A_174 = arith.index_cast %parallel_loop3A_173 : i32 to index
        %parallel_loop3A_175 = tpu.vector_load %arg11[%parallel_loop3A_174] {strides = array<i32>} : memref<51200xf32, #tpu.memory_space<vmem>>, vector<16xf32>,
        tpu.vector_store %arg11[%parallel_loop3A_174], %parallel_loop3A_171 {strides = array<i32>} : memref<51200xf32, #tpu.memory_space<vmem>>, vector<16xf32>,
      } {sc.loop_unroll_factor = 4 : i64, sc.parallel_access}
      %add3A_131 = arith.constant 4 : i32
      %add3A_132 = arith.addi %add3A_115, %add3A_131 : i32
      %lt3A_133 = arith.constant 32 : i32
      %lt3A_134 = arith.cmpi slt, %add3A_132, %lt3A_133 : i32
      %convert_element_type3A_135 = arith.extui %lt3A_134 : i1 to i32
      %cond3A_136 = arith.constant 0 : i32
      %cond3A_137 = arith.cmpi ne, %convert_element_type3A_135, %cond3A_136 : i32
      scf.if %cond3A_137 {
        %add3A_162 = arith.constant 4 : i32
        %add3A_163 = arith.addi %add3A_115, %add3A_162 : i32
        %mul3A_164 = arith.constant 16 : i32
        %mul3A_165 = arith.muli %add3A_163, %mul3A_164 : i32
        %add3A_166 = arith.addi %mul3A_2, %mul3A_165 : i32
        %dma_start3A_167 = arith.constant 0 : i32
        %dma_start3A_168 = tpu.memref_slice %arg2[%add3A_166, %dma_start3A_167] : memref<16384x1024xf32, #tpu.memory_space<hbm>> -> memref<16x1024xf32, #tpu.memory_space<hbm>>
        %dma_start3A_169 = arith.constant 0 : i32
        %dma_start3A_170 = tpu.memref_slice %arg2[%add3A_166, %dma_start3A_169] : memref<16384x1024xf32, #tpu.memory_space<hbm>> -> memref<16x1024xf32, #tpu.memory_space<hbm>>
        tpu.enqueue_dma source(%dma_start3A_170 : memref<16x1024xf32, #tpu.memory_space<hbm>>) target(%arg8 : memref<16x1024xf32, #tpu.memory_space<vmem>>) target_semaphore(%arg14 : memref<!tpu.dma_semaphore, #tpu.memory_space<semaphore_mem>>)
      } else {
      }
      %add3A_138 = arith.constant 3 : i32
      %add3A_139 = arith.addi %add3A_69, %add3A_138 : i32
      %mul3A_140 = arith.constant 16 : i32
      %mul3A_141 = arith.muli %add3A_139, %mul3A_140 : i32
      %add3A_142 = arith.addi %mul3A_2, %mul3A_141 : i32
      %dma_wait3A_143 = arith.constant 0 : i32
      %dma_wait3A_144 = tpu.memref_slice %arg2[%add3A_142, %dma_wait3A_143] : memref<16384x1024xf32, #tpu.memory_space<hbm>> -> memref<16x1024xf32, #tpu.memory_space<hbm>>
      %dma_wait3A_145 = arith.constant 0 : i32
      %dma_wait3A_146 = tpu.memref_slice %arg2[%add3A_142, %dma_wait3A_145] : memref<16384x1024xf32, #tpu.memory_space<hbm>> -> memref<16x1024xf32, #tpu.memory_space<hbm>>
      tpu.wait_dma2 semaphore(%arg15 : memref<!tpu.dma_semaphore, #tpu.memory_space<semaphore_mem>>) src(%dma_wait3A_146 : memref<16x1024xf32, #tpu.memory_space<hbm>>) dst(%arg9 : memref<16x1024xf32, #tpu.memory_space<vmem>>)
      %mul3A_147 = arith.constant 16 : i32
      %mul3A_148 = arith.muli %add3A_139, %mul3A_147 : i32
      %parallel_loop3A_149 = arith.constant 0 : i32
      %parallel_loop3A_150 = arith.constant 16 : i32
      %parallel_loop3A_151 = arith.constant 1 : i32
      scf.for %parallel_loop3A_162 = %parallel_loop3A_149 to %parallel_loop3A_150 step %parallel_loop3A_151  : i32 {
        %parallel_loop3A_163 = vector.broadcast %parallel_loop3A_162 : i32 to vector<16xi32>
        %parallel_loop3A_164 = arith.constant 113 : i32
        %parallel_loop3A_165 = arith.muli %parallel_loop3A_162, %parallel_loop3A_164 : i32
        %parallel_loop3A_166 = tpu.vector_load_idx %arg9[%parallel_loop3A_163, %get3A_11] : memref<16x1024xf32, #tpu.memory_space<vmem>>[vector<16xi32>, vector<16xi32>], vector<16xf32>,
        %parallel_loop3A_167 = arith.constant 0 : i32
        %parallel_loop3A_168 = arith.addi %parallel_loop3A_165, %parallel_loop3A_167 : i32
        %parallel_loop3A_169 = arith.index_cast %parallel_loop3A_168 : i32 to index
        %parallel_loop3A_170 = tpu.vector_load %arg10[%parallel_loop3A_169] {strides = array<i32>} : memref<1808xf32, #tpu.memory_space<vmem>>, vector<16xf32>,
        tpu.vector_store %arg10[%parallel_loop3A_169], %parallel_loop3A_166 {strides = array<i32>} : memref<1808xf32, #tpu.memory_space<vmem>>, vector<16xf32>,
        %parallel_loop3A_171 = tpu.vector_load_idx %arg9[%parallel_loop3A_163, %get3A_13] : memref<16x1024xf32, #tpu.memory_space<vmem>>[vector<16xi32>, vector<16xi32>], vector<16xf32>,
        %parallel_loop3A_172 = arith.constant 16 : i32
        %parallel_loop3A_173 = arith.addi %parallel_loop3A_165, %parallel_loop3A_172 : i32
        %parallel_loop3A_174 = arith.index_cast %parallel_loop3A_173 : i32 to index
        %parallel_loop3A_175 = tpu.vector_load %arg10[%parallel_loop3A_174] {strides = array<i32>} : memref<1808xf32, #tpu.memory_space<vmem>>, vector<16xf32>,
        tpu.vector_store %arg10[%parallel_loop3A_174], %parallel_loop3A_171 {strides = array<i32>} : memref<1808xf32, #tpu.memory_space<vmem>>, vector<16xf32>,
        %parallel_loop3A_176 = tpu.vector_load_idx %arg9[%parallel_loop3A_163, %get3A_15] : memref<16x1024xf32, #tpu.memory_space<vmem>>[vector<16xi32>, vector<16xi32>], vector<16xf32>,
        %parallel_loop3A_177 = arith.constant 32 : i32
        %parallel_loop3A_178 = arith.addi %parallel_loop3A_165, %parallel_loop3A_177 : i32
        %parallel_loop3A_179 = arith.index_cast %parallel_loop3A_178 : i32 to index
        %parallel_loop3A_180 = tpu.vector_load %arg10[%parallel_loop3A_179] {strides = array<i32>} : memref<1808xf32, #tpu.memory_space<vmem>>, vector<16xf32>,
        tpu.vector_store %arg10[%parallel_loop3A_179], %parallel_loop3A_176 {strides = array<i32>} : memref<1808xf32, #tpu.memory_space<vmem>>, vector<16xf32>,
        %parallel_loop3A_181 = tpu.vector_load_idx %arg9[%parallel_loop3A_163, %get3A_17] : memref<16x1024xf32, #tpu.memory_space<vmem>>[vector<16xi32>, vector<16xi32>], vector<16xf32>,
        %parallel_loop3A_182 = arith.constant 48 : i32
        %parallel_loop3A_183 = arith.addi %parallel_loop3A_165, %parallel_loop3A_182 : i32
        %parallel_loop3A_184 = arith.index_cast %parallel_loop3A_183 : i32 to index
        %parallel_loop3A_185 = tpu.vector_load %arg10[%parallel_loop3A_184] {strides = array<i32>} : memref<1808xf32, #tpu.memory_space<vmem>>, vector<16xf32>,
        tpu.vector_store %arg10[%parallel_loop3A_184], %parallel_loop3A_181 {strides = array<i32>} : memref<1808xf32, #tpu.memory_space<vmem>>, vector<16xf32>,
        %parallel_loop3A_186 = tpu.vector_load_idx %arg9[%parallel_loop3A_163, %get3A_19] : memref<16x1024xf32, #tpu.memory_space<vmem>>[vector<16xi32>, vector<16xi32>], vector<16xf32>,
        %parallel_loop3A_187 = arith.constant 64 : i32
        %parallel_loop3A_188 = arith.addi %parallel_loop3A_165, %parallel_loop3A_187 : i32
        %parallel_loop3A_189 = arith.index_cast %parallel_loop3A_188 : i32 to index
        %parallel_loop3A_190 = tpu.vector_load %arg10[%parallel_loop3A_189] {strides = array<i32>} : memref<1808xf32, #tpu.memory_space<vmem>>, vector<16xf32>,
        tpu.vector_store %arg10[%parallel_loop3A_189], %parallel_loop3A_186 {strides = array<i32>} : memref<1808xf32, #tpu.memory_space<vmem>>, vector<16xf32>,
        %parallel_loop3A_191 = tpu.vector_load_idx %arg9[%parallel_loop3A_163, %get3A_21] : memref<16x1024xf32, #tpu.memory_space<vmem>>[vector<16xi32>, vector<16xi32>], vector<16xf32>,
        %parallel_loop3A_192 = arith.constant 80 : i32
        %parallel_loop3A_193 = arith.addi %parallel_loop3A_165, %parallel_loop3A_192 : i32
        %parallel_loop3A_194 = arith.index_cast %parallel_loop3A_193 : i32 to index
        %parallel_loop3A_195 = tpu.vector_load %arg10[%parallel_loop3A_194] {strides = array<i32>} : memref<1808xf32, #tpu.memory_space<vmem>>, vector<16xf32>,
        tpu.vector_store %arg10[%parallel_loop3A_194], %parallel_loop3A_191 {strides = array<i32>} : memref<1808xf32, #tpu.memory_space<vmem>>, vector<16xf32>,
        %parallel_loop3A_196 = tpu.vector_load_idx %arg9[%parallel_loop3A_163, %get3A_23] : memref<16x1024xf32, #tpu.memory_space<vmem>>[vector<16xi32>, vector<16xi32>], vector<16xf32>,
        %parallel_loop3A_197 = arith.constant 96 : i32
        %parallel_loop3A_198 = arith.addi %parallel_loop3A_165, %parallel_loop3A_197 : i32
        %parallel_loop3A_199 = arith.index_cast %parallel_loop3A_198 : i32 to index
        %parallel_loop3A_200 = tpu.vector_load %arg10[%parallel_loop3A_199] {strides = array<i32>} : memref<1808xf32, #tpu.memory_space<vmem>>, vector<16xf32>,
        tpu.vector_store %arg10[%parallel_loop3A_199], %parallel_loop3A_196 {strides = array<i32>} : memref<1808xf32, #tpu.memory_space<vmem>>, vector<16xf32>,
      } {sc.loop_unroll_factor = 4 : i64, sc.parallel_access}
      %parallel_loop3A_152 = arith.constant 0 : i32
      %parallel_loop3A_153 = arith.constant 100 : i32
      %parallel_loop3A_154 = arith.constant 1 : i32
      scf.for %parallel_loop3A_162 = %parallel_loop3A_152 to %parallel_loop3A_153 step %parallel_loop3A_154  : i32 {
        %parallel_loop3A_163 = arith.constant 512 : i32
        %parallel_loop3A_164 = arith.muli %parallel_loop3A_162, %parallel_loop3A_163 : i32
        %parallel_loop3A_165 = arith.addi %parallel_loop3A_164, %mul3A_148 : i32
        %parallel_loop3A_166 = arith.constant 0 : i32
        %parallel_loop3A_167 = vector.broadcast %parallel_loop3A_166 : i32 to vector<16xi32>
        %parallel_loop3A_168 = arith.addi %parallel_loop3A_167, %mul3A_26 : vector<16xi32>
        %parallel_loop3A_169 = vector.broadcast %parallel_loop3A_162 : i32 to vector<16xi32>
        %parallel_loop3A_170 = arith.addi %parallel_loop3A_168, %parallel_loop3A_169 : vector<16xi32>
        %parallel_loop3A_171 = tpu.vector_load_idx %arg10[%parallel_loop3A_170] : memref<1808xf32, #tpu.memory_space<vmem>>[vector<16xi32>], vector<16xf32>,
        %parallel_loop3A_172 = arith.constant 0 : i32
        %parallel_loop3A_173 = arith.addi %parallel_loop3A_165, %parallel_loop3A_172 : i32
        %parallel_loop3A_174 = arith.index_cast %parallel_loop3A_173 : i32 to index
        %parallel_loop3A_175 = tpu.vector_load %arg11[%parallel_loop3A_174] {strides = array<i32>} : memref<51200xf32, #tpu.memory_space<vmem>>, vector<16xf32>,
        tpu.vector_store %arg11[%parallel_loop3A_174], %parallel_loop3A_171 {strides = array<i32>} : memref<51200xf32, #tpu.memory_space<vmem>>, vector<16xf32>,
      } {sc.loop_unroll_factor = 4 : i64, sc.parallel_access}
      %add3A_155 = arith.constant 4 : i32
      %add3A_156 = arith.addi %add3A_139, %add3A_155 : i32
      %lt3A_157 = arith.constant 32 : i32
      %lt3A_158 = arith.cmpi slt, %add3A_156, %lt3A_157 : i32
      %convert_element_type3A_159 = arith.extui %lt3A_158 : i1 to i32
      %cond3A_160 = arith.constant 0 : i32
      %cond3A_161 = arith.cmpi ne, %convert_element_type3A_159, %cond3A_160 : i32
      scf.if %cond3A_161 {
        %add3A_162 = arith.constant 4 : i32
        %add3A_163 = arith.addi %add3A_139, %add3A_162 : i32
        %mul3A_164 = arith.constant 16 : i32
        %mul3A_165 = arith.muli %add3A_163, %mul3A_164 : i32
        %add3A_166 = arith.addi %mul3A_2, %mul3A_165 : i32
        %dma_start3A_167 = arith.constant 0 : i32
        %dma_start3A_168 = tpu.memref_slice %arg2[%add3A_166, %dma_start3A_167] : memref<16384x1024xf32, #tpu.memory_space<hbm>> -> memref<16x1024xf32, #tpu.memory_space<hbm>>
        %dma_start3A_169 = arith.constant 0 : i32
        %dma_start3A_170 = tpu.memref_slice %arg2[%add3A_166, %dma_start3A_169] : memref<16384x1024xf32, #tpu.memory_space<hbm>> -> memref<16x1024xf32, #tpu.memory_space<hbm>>
        tpu.enqueue_dma source(%dma_start3A_170 : memref<16x1024xf32, #tpu.memory_space<hbm>>) target(%arg9 : memref<16x1024xf32, #tpu.memory_space<vmem>>) target_semaphore(%arg15 : memref<!tpu.dma_semaphore, #tpu.memory_space<semaphore_mem>>)
      } else {
      }
    }
    %scan3A_54 = arith.constant 8 : i32
    %scan3A_55 = arith.constant 0 : i32
    %scan3A_56 = arith.constant 100 : i32
    %scan3A_57 = arith.addi %scan3A_55, %scan3A_56 : i32
    %scan3A_58 = arith.constant 1 : i32
    scf.for %scan3A_65 = %scan3A_55 to %scan3A_57 step %scan3A_58  : i32 {
      %mul3A_66 = arith.constant 1 : i32
      %mul3A_67 = arith.muli %scan3A_65, %mul3A_66 : i32
      %add3A_68 = arith.constant 0 : i32
      %add3A_69 = arith.addi %add3A_68, %mul3A_67 : i32
      %mul3A_70 = arith.constant 512 : i32
      %mul3A_71 = arith.muli %add3A_69, %mul3A_70 : i32
      %dma_start3A_72 = tpu.memref_slice %arg11[%mul3A_71] : memref<51200xf32, #tpu.memory_space<vmem>> -> memref<512xf32, #tpu.memory_space<vmem>>
      %dma_start3A_73 = tpu.memref_slice %arg4[%add3A_69, %mul3A_2] : memref<100x16384xf32, #tpu.memory_space<hbm>> -> memref<1x512xf32, #tpu.memory_space<hbm>>
      %dma_start3A_74 = tpu.memref_squeeze %dma_start3A_73 : memref<1x512xf32, #tpu.memory_space<hbm>> -> memref<512xf32, #tpu.memory_space<hbm>>
      %dma_start3A_75 = tpu.memref_slice %arg4[%add3A_69, %mul3A_2] : memref<100x16384xf32, #tpu.memory_space<hbm>> -> memref<1x512xf32, #tpu.memory_space<hbm>>
      %dma_start3A_76 = tpu.memref_squeeze %dma_start3A_75 : memref<1x512xf32, #tpu.memory_space<hbm>> -> memref<512xf32, #tpu.memory_space<hbm>>
      %dma_start3A_77 = tpu.memref_slice %arg11[%mul3A_71] : memref<51200xf32, #tpu.memory_space<vmem>> -> memref<512xf32, #tpu.memory_space<vmem>>
      tpu.enqueue_dma source(%dma_start3A_77 : memref<512xf32, #tpu.memory_space<vmem>>) target(%dma_start3A_76 : memref<512xf32, #tpu.memory_space<hbm>>) target_semaphore(%arg16 : memref<!tpu.dma_semaphore, #tpu.memory_space<semaphore_mem>>)
    }
    %scan3A_59 = arith.constant 100 : i32
    %scan3A_60 = arith.constant 0 : i32
    %scan3A_61 = arith.constant 100 : i32
    %scan3A_62 = arith.addi %scan3A_60, %scan3A_61 : i32
    %scan3A_63 = arith.constant 1 : i32
    scf.for %scan3A_65 = %scan3A_60 to %scan3A_62 step %scan3A_63  : i32 {
      %mul3A_66 = arith.constant 1 : i32
      %mul3A_67 = arith.muli %scan3A_65, %mul3A_66 : i32
      %add3A_68 = arith.constant 0 : i32
      %add3A_69 = arith.addi %add3A_68, %mul3A_67 : i32
      %mul3A_70 = arith.constant 512 : i32
      %mul3A_71 = arith.muli %add3A_69, %mul3A_70 : i32
      %dma_wait3A_72 = tpu.memref_slice %arg11[%mul3A_71] : memref<51200xf32, #tpu.memory_space<vmem>> -> memref<512xf32, #tpu.memory_space<vmem>>
      %dma_wait3A_73 = tpu.memref_slice %arg4[%add3A_69, %mul3A_2] : memref<100x16384xf32, #tpu.memory_space<hbm>> -> memref<1x512xf32, #tpu.memory_space<hbm>>
      %dma_wait3A_74 = tpu.memref_squeeze %dma_wait3A_73 : memref<1x512xf32, #tpu.memory_space<hbm>> -> memref<512xf32, #tpu.memory_space<hbm>>
      %dma_wait3A_75 = tpu.memref_slice %arg4[%add3A_69, %mul3A_2] : memref<100x16384xf32, #tpu.memory_space<hbm>> -> memref<1x512xf32, #tpu.memory_space<hbm>>
      %dma_wait3A_76 = tpu.memref_squeeze %dma_wait3A_75 : memref<1x512xf32, #tpu.memory_space<hbm>> -> memref<512xf32, #tpu.memory_space<hbm>>
      %dma_wait3A_77 = tpu.memref_slice %arg11[%mul3A_71] : memref<51200xf32, #tpu.memory_space<vmem>> -> memref<512xf32, #tpu.memory_space<vmem>>
      tpu.wait_dma2 semaphore(%arg16 : memref<!tpu.dma_semaphore, #tpu.memory_space<semaphore_mem>>) src(%dma_wait3A_77 : memref<512xf32, #tpu.memory_space<vmem>>) dst(%dma_wait3A_76 : memref<512xf32, #tpu.memory_space<hbm>>)
    }
    %scan3A_64 = arith.constant 100 : i32
    return
  }
}

</mosaic_0001>

<sc_bundles>
// kernel: kernel.3.cloned.1.call-start
scs
__scs_entry_jumppad:
0x0: {  	(pc) =	sbr.rel $0x88, $3  }
0x1: {  	(tag) =	ssettag $0x0;
	lr =	simm.s32 $0x1  }
0x2: {  	[smem:$0x3F9F] =	sst lr;
	_ =	strace $0xD0000000  }
0x3: {  	_ = 	snop  }
0x4: {  	_ = 	snop  }
0x5: {  	_ = 	snop  }
0x6: {  	_ = 	snop  }
0x7: {  	_ = 	snop  }
__scs_overlays_trampoline_lowered:
0x8: {  	[smem:$0x3FAE] =	sst s0  }
0x9: {  	[smem:$0x3FAF] =	sst s1  }
0xa: {  	[smem:$0x3FB0] =	sst s2  }
0xb: {  	[smem:$0x3FB1] =	sst s3  }
0xc: {  	[smem:$0x3FB2] =	sst s4  }
0xd: {  	[smem:$0x3FB3] =	sst s5  }
0xe: {  	[smem:$0x3FB4] =	sst s6  }
0xf: {  	[smem:$0x3FB5] =	sst s7  }
0x10: {  	[smem:$0x3FB6] =	sst s8  }
0x11: {  	[smem:$0x3FB7] =	sst s9;
	s0 =	simm.s32 @!p0 $0x0  }
0x12: {  	s1 =	sld [smem:$0x3F9D];
	s0 =	simm.s32 @p0 $0x1  }
0x13: {  	[smem:$0x3FB8] =	sst s0;
	s0 =	simm.s32 @!p1 $0x0  }
0x14: {  	s2 =	sld [smem:$0x3F9C];
	s0 =	simm.s32 @p1 $0x1  }
0x15: {  	[smem:$0x3FB9] =	sst s0;
	s0 =	simm.s32 @!p2 $0x0  }
0x16: {  	s3 =	sld [smem:$0x3FDB];
	s0 =	simm.s32 @p2 $0x1  }
0x17: {  	s4 =	simm.s32 $0x1BF5;
	[smem:$0x3FBB] =	sst s0  }
0x18: {  	s0 =	sld [smem:$0x3F9E];
	_ =	swait.ge [sflag:s4], $0x0  }
0x19: {  	s7 =	sld [smem:$0x3F9F]  }
0x1a: {  	s8 =	sadd.s32 $0xFFFFE003, lr  }
0x1b: {  	s9 =	sadd.s32 $0xFFFFFEF7, lr;
	s5 =	simm.s32 $0xFFFFFFFF;
	p2 =	slt.u32 s8, $0xFFFFF086  }
0x1c: {  	p1 =	slt.u32 s9, $0xF7A;
	s5 =	simm.s32 @!p2 $0x0  }
0x1d: {  	s5 =	simm.s32 @p1 $0x1;
	p0 =	seq.s32 s7, s2  }
0x1e: {  	s7 =	smul.u32 @!p0 $0xF7A, s2;
	p2 =	seq.s32 @!p0 s5, $0x0  }
0x1f: {  	s9 =	smul.u32 $0xF7A, s1;
	s8 =	simm.s32 @!p0 $0x1BF5;
	p2 =	por !p2, p0  }
0x20: {  	[sflag:s8] =	ssyncset.s32 @!p0 $0xFFFFF086;
	s6 =	sadd.s32 @!p0 s3, s7;
	s7 =	simm.s32 @!p0 $0x108  }
0x21: {  	s3 =	sadd.s32 s3, s9;
	s6 =	sadd.s32 @!p0 $0x88, s6;
	s7 =	simm.s32 @p2 $0x1082  }
0x22: {  	[simem:s7], [sflag:s8] =	dma.local @!p0 [hbm:s6], $0xF7A  }
0x23: {  	s9 =	sor.u32 $0xD0000000, s2;
	s6 =	simm.s32 $0x108;
	_ =	swait.ge @!p0 [sflag:s8], $0x0  }
0x24: {  	s3 =	sadd.s32 $0x88, s3;
	s6 =	simm.s32 @!p1 $0x1082;
	[sflag:s4] =	ssyncset.s32 $0xFFFFF086  }
0x25: {  	[simem:s6], [sflag:s4] =	dma.local [hbm:s3], $0xF7A  }
0x26: {  	[smem:$0x3F9F] =	sst s1;
	(tag) =	ssettag s2;
	_ =	strace s9  }
0x27: {  	s1 =	sld [smem:$0x3FAF]  }
0x28: {  	s2 =	sld [smem:$0x3FB0]  }
0x29: {  	s4 =	sld [smem:$0x3FB2]  }
0x2a: {  	p0 =	seq.s32 s5, $0x0;
	s5 =	sld [smem:$0x3FB3]  }
0x2b: {  	s6 =	sld [smem:$0x3FB4]  }
0x2c: {  	s7 =	sld [smem:$0x3FB5]  }
0x2d: {  	s3 =	simm.s32 $0x108;
	s8 =	sld [smem:$0x3FB6]  }
0x2e: {  	s3 =	simm.s32 @!p0 $0x1082;
	s9 =	sld [smem:$0x3FB7]  }
0x2f: {  	lr =	sadd.s32 s0, s3;
	s0 =	sld [smem:$0x3FAE]  }
0x30: {  	s3 =	sld [smem:$0x3FB1]  }
0x31: {  	[smem:$0x3FBA] =	sst s10  }
0x32: {  	s10 =	sld [smem:$0x3FB8];
	_ =	sdelay $0x3  }
0x33: {  	p0 =	seq.s32 s10, $0x1;
	s10 =	sld [smem:$0x3FBA];
	_ =	sdelay $0x3  }
0x34: {  	[smem:$0x3FBA] =	sst s10  }
0x35: {  	s10 =	sld [smem:$0x3FB9];
	_ =	sdelay $0x3  }
0x36: {  	p1 =	seq.s32 s10, $0x1;
	s10 =	sld [smem:$0x3FBA];
	_ =	sdelay $0x3  }
0x37: {  	[smem:$0x3FBA] =	sst s10  }
0x38: {  	s10 =	sld [smem:$0x3FBB]  }
0x39: {  	_ = 	snop;
	(pc) =	sbr.ind lr, $3  }
0x3a: {  	_ = 	snop  }
0x3b: {  	_ = 	snop  }
0x3c: {  	p2 =	seq.s32 s10, $0x1;
	s10 =	sld [smem:$0x3FBA]  }
0x3d: {  	_ =	shalt  }
0x3e: {  	_ =	shalt  }
0x3f: {  	_ =	shalt  }
0x40: {  	_ =	shalt  }
0x41: {  	_ =	shalt  }
0x42: {  	_ =	shalt  }
0x43: {  	_ =	shalt  }
0x44: {  	_ =	shalt  }
0x45: {  	_ =	shalt  }
0x46: {  	_ =	shalt  }
0x47: {  	_ =	shalt  }
0x48: {  	_ =	shalt  }
0x49: {  	_ =	shalt  }
0x4a: {  	_ =	shalt  }
0x4b: {  	_ =	shalt  }
0x4c: {  	_ =	shalt  }
0x4d: {  	_ =	shalt  }
0x4e: {  	_ =	shalt  }
0x4f: {  	_ =	shalt  }
0x50: {  	_ =	shalt  }
0x51: {  	_ =	shalt  }
0x52: {  	_ =	shalt  }
0x53: {  	_ =	shalt  }
0x54: {  	_ =	shalt  }
0x55: {  	_ =	shalt  }
0x56: {  	_ =	shalt  }
0x57: {  	_ =	shalt  }
0x58: {  	_ =	shalt  }
0x59: {  	_ =	shalt  }
0x5a: {  	_ =	shalt  }
0x5b: {  	_ =	shalt  }
0x5c: {  	_ =	shalt  }
0x5d: {  	_ =	shalt  }
0x5e: {  	_ =	shalt  }
0x5f: {  	_ =	shalt  }
0x60: {  	_ =	shalt  }
0x61: {  	_ =	shalt  }
0x62: {  	_ =	shalt  }
0x63: {  	_ =	shalt  }
0x64: {  	_ =	shalt  }
0x65: {  	_ =	shalt  }
0x66: {  	_ =	shalt  }
0x67: {  	_ =	shalt  }
0x68: {  	_ =	shalt  }
0x69: {  	_ =	shalt  }
0x6a: {  	_ =	shalt  }
0x6b: {  	_ =	shalt  }
0x6c: {  	_ =	shalt  }
0x6d: {  	_ =	shalt  }
0x6e: {  	_ =	shalt  }
0x6f: {  	_ =	shalt  }
0x70: {  	_ =	shalt  }
0x71: {  	_ =	shalt  }
0x72: {  	_ =	shalt  }
0x73: {  	_ =	shalt  }
0x74: {  	_ =	shalt  }
0x75: {  	_ =	shalt  }
0x76: {  	_ =	shalt  }
0x77: {  	_ =	shalt  }
0x78: {  	_ =	shalt  }
0x79: {  	_ =	shalt  }
0x7a: {  	_ =	shalt  }
0x7b: {  	_ =	shalt  }
0x7c: {  	_ =	shalt  }
0x7d: {  	_ =	shalt  }
0x7e: {  	_ =	shalt  }
0x7f: {  	_ =	shalt  }
0x80: {  	_ =	shalt  }
0x81: {  	_ =	shalt  }
0x82: {  	_ =	shalt  }
0x83: {  	_ =	shalt  }
0x84: {  	_ =	shalt  }
0x85: {  	_ =	shalt  }
0x86: {  	_ =	shalt  }
0x87: {  	_ =	shalt  }
.Lfunc_end0:
.L_simem_size_0:
called_computation_lowered:
.L_overlay_start_0:
0x88: {  	s2 =	sld [smem:$0x3FD9]  }
0x89: {  	s3 =	sld [smem:$0x3FFE];
	_ =	sdelay $0x1  }
0x8a: {  	s1 =	srdreg.scid  }
0x8b: {  	s0 =	sand.u32 $0x1, s1  }
0x8c: {  	s18 =	sshll.u32 s0, $0xA;
	s2 =	sadd.s32 s3, s2  }
0x8d: {  	s2 =	sadd.s32 s2, s18  }
0x8e: {  	[smem:$0x3FC6] =	sst s2  }
0x8f: {  	_ = 	snop  }
0x90: {  	s2 =	sld [smem:$0x3FC9]  }
0x91: {  	s19 =	sld [smem:$0x3FC8]  }
0x92: {  	s4 =	sld [smem:$0x3FD0];
	(tm) =	ssettm $0x1  }
0x93: {  	s5 =	sld [smem:$0x3FFB];
	_ =	sdelay $0x3  }
0x94: {  	_ =	strace s5  }
0x95: {  	s5 =	sld [smem:$0x3FFC];
	_ =	sdelay $0x3  }
0x96: {  	_ =	strace s5  }
0x97: {  	s5 =	sld [smem:$0x3FFD];
	_ =	sdelay $0x3  }
0x98: {  	_ =	strace s5  }
0x99: {  	_ =	strace $0x8FFFFFFF  }
0x9a: {  	s20 =	sld [smem:$0x3FDB];
	_ =	sdelay $0x1  }
0x9b: {  	s6 =	simm.s32 $_scs_section_size  }
0x9c: {  	s7 =	simm.s32 $_size__tile_overlayer_lowered;
	s8 =	simm.s32 $_tile_overlayer_lowered  }
0x9d: {  	s23 =	simm.s32 $0x1BFF;
	s22 =	sshll.u32 s8, $0x1;
	s5 =	sadd.s32 s6, s20  }
0x9e: {  	s9 =	simm.s32 $0x0;
	s21 =	sshll.u32 s7, $0x1;
	s7 =	sadd.s32 s22, s5  }
0x9f: {  	[timem:s9], [sflag:s23] =	dma.local [hbm:s7], s21  }
0xa0: {  	_ =	swait.ge [sflag:s23], s21  }
0xa1: {  	s6 =	ssub.s32 $0x0, s21;
	[sflag:s23] =	ssyncset.done $0x0  }
0xa2: {  	[sflag:s23] =	ssyncadd.s32 s6;
	_ =	sdelay $0x1  }
0xa3: {  	s24 =	simm.s32 $0x1B8B  }
0xa4: {  	_ =	swait.ge [sflag:s24], $0x1  }
0xa5: {  	[sflag:s24] =	ssyncset.done $0x0  }
0xa6: {  	s25 =	simm.s32 $0x1B8E;
	[sflag:s24] =	ssyncadd.s32 $0xFFFFFFFF  }
0xa7: {  	s26 =	simm.s32 $execute0_lowered;
	[smem:$0x3FD2] =	sst s25  }
0xa8: {  	s6 =	sshll.u32 s26, $0x1;
	_ =	strace $0x80000046;
	[dreg:$0x1] =	wrdreg $0xFFFFFFFF  }
0xa9: {  	s28 =	simm.s32 $_size_execute0_lowered;
	s5 =	sadd.s32 s5, s6;
	[dreg:$0x0] =	wrdreg $0x0  }
0xaa: {  	s6 =	sshll.u32 s28, $0x1;
	[dreg:$0x2] =	wrdreg s5  }
0xab: {  	[dreg:$0x3] =	wrdreg s6  }
0xac: {  	[dreg:$0x4] =	wrdreg $0xC0  }
0xad: {  	_ =	task [dreg:s9], $0x5FFFF  }
0xae: {  	[dreg:$0x1] =	wrdreg $0xFFFFFFFF  }
0xaf: {  	[dreg:$0x0] =	wrdreg $0x60  }
0xb0: {  	[dreg:$0x2] =	wrdreg s2  }
0xb1: {  	[dreg:$0x3] =	wrdreg s19  }
0xb2: {  	[dreg:$0x4] =	wrdreg s4  }
0xb3: {  	[dreg:$0x5] =	wrdreg $0x9  }
0xb4: {  	_ =	task.clear_ibuf [dreg:s9], $0x6FFFF;
	_ =	strace $0x90000046  }
0xb5: {  	s29 =	simm.s32 $0x9;
	_ =	strace $0x80000048  }
0xb6: {  	_ =	swait.ge [sflag:s29], $0x1  }
0xb7: {  	[sflag:s29] =	ssyncadd.s32 $0xFFFFFFFF  }
0xb8: {  	_ =	strace $0x90000048  }
0xb9: {  	_ =	sfence  }
0xba: {  	s30 =	sld [smem:$0x0];
	_ =	sdelay $0x2  }
0xbb: {  	s31 =	sshll.u32 s1, $0xD;
	s1 =	sshrl.u32 s1, $0x2  }
0xbc: {  	s3 =	sand.u32 $0x4000, s31;
	s1 =	sadd.s32 s1, s30  }
0xbd: {  	s0 =	sor.u32 s3, s0;
	s1 =	sshll.u32 s1, $0x11  }
0xbe: {  	s0 =	sor.u32 s1, s0  }
0xbf: {  	s0 =	sadd.s32 $0x8F2B, s0  }
0xc0: {  	[sflag:s0] =	ssyncadd.remote.s32 $0x1  }
0xc1: {  	_ =	sfence.sel $0xFFFF  }
0xc2: {  	[dreg:$0x0] =	wrdreg $0xFFFFFFFF;
	(pc) =	sbr.abs _section_cstart, $3  }
0xc3: {  	[dreg:$0x1] =	wrdreg $0xFFFFFFFF  }
0xc4: {  	_ =	task.clear_ibuf [dreg:s9], $0x2FFFF;
	_ =	strace $0x9FFFFFFF  }
0xc5: {  	(tm) =	ssettm $0x7FFFFFFF  }
tec
execute0_lowered:
.L_overlay_start_1:
0x0: {  	(tag) =	ssettag $0x1  }
0x1: {  	s0 =	rddreg [dreg:$0x0]  }
0x2: {  	s1 =	srdreg.scid;
	s2 =	rddreg [dreg:$0x2]  }
0x3: {  	s3 =	stileid.u32;
	s14 =	simm.s32 $0x1;
	s15 =	simm.s32 $0x80  }
0x4: {  	s16 =	simm.s32 $0x4080;
	s17 =	simm.s32 $0x8080;
	s18 =	simm.s32 $0xC080  }
0x5: {  	s19 =	simm.s32 $0x10080;
	s20 =	simm.s32 $0x2;
	s21 =	simm.s32 $0x3  }
0x6: {  	s22 =	simm.s32 $0x4;
	s23 =	simm.s32 $0x400;
	s1 =	sand.u32 $0x1, s1  }
0x7: {  	s24 =	simm.s32 $0x5;
	s4 =	sshll.u32 s3, $0xA;
	s5 =	sshll.u32 s1, $0x9  }
0x8: {  	s25 =	simm.s32 $0x0;
	s1 =	ssub.s32 $0x2, s1;
	s4 =	sor.u32 s5, s4  }
0x9: {  	s3 =	simm.s32 $0x0;
	s26 =	sshrl.u32 s1, $0x1;
	s6 =	sshll.u32 s4, $0x7  }
0xa: {  	[smem:$0x7FF] =	sst s3;
	s1 =	ssub.s32 s1, s26;
	s0 =	sadd.s32 s0, s6  }
0xb: {  	_ =	strace $0x80000047;
	s31 =	smax.u32 s1, $0x1;
	[dreg:$0x4] =	wrdreg s0  }
0xc: {  	s12 =	sadd.s32 s2, s4;
	s28 =	sadd.s32 $0x800, s0;
	[dreg:$0x8] =	wrdreg s31  }
0xd: {  	s29 =	sadd.s32 $0x1000, s0;
	s30 =	sadd.s32 $0x1800, s0;
	[dreg:$0x5] =	wrdreg s28  }
0xe: {  	v1 =	vlaneseq.u32;
	s8 =	sadd.s32 $0x2000, s0;
	s9 =	sadd.s32 $0x2800, s0;
	[dreg:$0x6] =	wrdreg s29  }
0xf: {  	v0 =	vimm.s32 $0x0;
	v1 =	vmul.u32 $0x71, v1;
	s10 =	sadd.s32 $0x3000, s0;
	s11 =	sadd.s32 $0x3800, s0;
	[dreg:$0x7] =	wrdreg s30  }
.LBB2_1:
0x10: {  	[tilespmem:$0x60] =	vst v0;
	s0 =	rddreg [dreg:$0x1]  }
0x11: {  	[tilespmem:s3], [sflag:$0x1] =	stream.linear.gather [hbm4b:s0+s3], $0x64, $0x38;
	[tilespmem:$0x1D000] =	vst v63  }
0x12: {  	_ =	swait.ge [sflag:s14], $0x64  }
0x13: {  	[sflag:s14] =	ssyncset.done $0x0  }
0x14: {  	[sflag:s14] =	ssyncadd.s32 $0xFFFFFF9C  }
0x15: {  	v2 =	vld [tilespmem:$0x0]  }
0x16: {  	v5 =	vld [tilespmem:$0x10]  }
0x17: {  	v6 =	vld [tilespmem:$0x20]  }
0x18: {  	v9 =	vld [tilespmem:$0x30]  }
0x19: {  	v10 =	vld [tilespmem:$0x40]  }
0x1a: {  	v13 =	vld [tilespmem:$0x50]  }
0x1b: {  	s26 =	rddreg [dreg:$0x4];
	v14 =	vld [tilespmem:$0x60]  }
0x1c: {  	[tilespmem:s15], [sflag:$0x1] =	stream.linear.gather [hbm4b:s26+s3], $0x4000, $0x38;
	v3 =	vshll.u32 v2, $0x3;
	v2 =	vand.u32 $0x7F, v2;
	v4 =	vand.u32 $0x7F, v5;
	[tilespmem:$0x1D000] =	vst v63  }
0x1d: {  	s29 =	rddreg [dreg:$0x5];
	v5 =	vshll.u32 v5, $0x3;
	v7 =	vshll.u32 v6, $0x3;
	v6 =	vand.u32 $0x7F, v6  }
0x1e: {  	[tilespmem:s16], [sflag:$0x2] =	stream.linear.gather [hbm4b:s29+s3], $0x4000, $0x38;
	v8 =	vand.u32 $0x7F, v9;
	v9 =	vshll.u32 v9, $0x3;
	v11 =	vshll.u32 v10, $0x3;
	[tilespmem:$0x1D000] =	vst v63  }
0x1f: {  	p0 =	por $0x0, $0x0;
	s30 =	rddreg [dreg:$0x6];
	v10 =	vand.u32 $0x7F, v10;
	v12 =	vand.u32 $0x7F, v13;
	v13 =	vshll.u32 v13, $0x3  }
0x20: {  	[tilespmem:s17], [sflag:$0x3] =	stream.linear.gather [hbm4b:s30+s3], $0x4000, $0x38;
	v15 =	vshll.u32 v14, $0x3;
	v14 =	vand.u32 $0x7F, v14;
	v3 =	vand.u32 $0xFFFFFC00, v3;
	[tilespmem:$0x1D000] =	vst v63  }
0x21: {  	s28 =	simm.s32 $0x0;
	s31 =	rddreg [dreg:$0x7];
	s26 =	simm.s32 $0x0;
	v5 =	vand.u32 $0xFFFFFC00, v5;
	v7 =	vand.u32 $0xFFFFFC00, v7;
	v9 =	vand.u32 $0xFFFFFC00, v9  }
0x22: {  	[tilespmem:s18], [sflag:$0x4] =	stream.linear.gather [hbm4b:s31+s3], $0x4000, $0x38;
	v11 =	vand.u32 $0xFFFFFC00, v11;
	v13 =	vand.u32 $0xFFFFFC00, v13;
	v15 =	vand.u32 $0xFFFFFC00, v15;
	[tilespmem:$0x1D000] =	vst v63  }
.LBB2_2:
0x23: {  	s1 =	simm.s32 $0x0;
	s0 =	simm.s32 $0x1  }
0x24: {  	s6 =	simm.s32 $0x2;
	s2 =	simm.s32 $0x3;
	v16 =	vmov s1;
	v18 =	vmov s0  }
0x25: {  	v19 =	vmov s6;
	v21 =	vmov s2;
	v17 =	vshll.u32 v16, $0x7  }
0x26: {  	v16 =	vshll.u32 v16, $0xA;
	v20 =	vshll.u32 v19, $0x7;
	v19 =	vshll.u32 v19, $0xA  }
0x27: {  	v22 =	vshll.u32 v21, $0xA;
	v17 =	vand.u32 $0x200, v17;
	v25 =	vand.u32 $0x2000, v16  }
0x28: {  	v16 =	vshll.u32 v18, $0x7;
	v18 =	vshll.u32 v18, $0xA;
	v22 =	vand.u32 $0x2000, v22  }
0x29: {  	v23 =	vand.u32 $0x280, v16;
	v16 =	vand.u32 $0x300, v20;
	v20 =	vshll.u32 v21, $0x7  }
0x2a: {  	v24 =	vand.u32 $0x2000, v18;
	v26 =	vadd.s32 v3, v22;
	v21 =	vand.u32 $0x380, v20  }
0x2b: {  	v18 =	vand.u32 $0x2000, v19;
	v19 =	vadd.s32 v3, v24;
	v20 =	vor.u32 v21, v26  }
0x2c: {  	v26 =	vadd.s32 v3, v18;
	v19 =	vor.u32 v23, v19;
	v20 =	vor.u32 v2, v20  }
0x2d: {  	v27 =	vadd.s32 v3, v25;
	v19 =	vor.u32 v2, v19;
	v26 =	vor.u32 v16, v26  }
0x2e: {  	_ =	swait.ge [sflag:s14], $0x4000;
	v27 =	vor.u32 v17, v27;
	v26 =	vor.u32 v2, v26  }
0x2f: {  	[sflag:s14] =	ssyncset.done $0x0;
	v27 =	vor.u32 v2, v27  }
0x30: {  	[sflag:s14] =	ssyncadd.s32 $0xFFFFC000;
	v28 =	vadd.s32 v5, v22;
	v31 =	vadd.s32 v5, v25;
	v32 =	vadd.s32 v7, v25  }
0x31: {  	v34 =	vadd.s32 v7, v22;
	v29 =	vadd.s32 v5, v24;
	v28 =	vor.u32 v21, v28;
	v20 =	vld.idx.msk [tilespmem:v20+s15+$0x0], $0xffff  }
0x32: {  	v30 =	vadd.s32 v5, v18;
	v29 =	vor.u32 v23, v29;
	v28 =	vor.u32 v4, v28;
	v19 =	vld.idx.msk [tilespmem:v19+s15+$0x0], $0xffff  }
0x33: {  	v54 =	vadd.s32 v9, v25;
	v30 =	vor.u32 v16, v30;
	v29 =	vor.u32 v4, v29;
	v26 =	vld.idx.msk [tilespmem:v26+s15+$0x0], $0xffff  }
0x34: {  	v39 =	vadd.s32 v9, v22;
	v31 =	vor.u32 v17, v31;
	v30 =	vor.u32 v4, v30;
	v27 =	vld.idx.msk [tilespmem:v27+s15+$0x0], $0xffff  }
0x35: {  	s6 =	simm.s32 $0x10162;
	v43 =	vadd.s32 v11, v25;
	v58 =	vadd.s32 v11, v22;
	v31 =	vor.u32 v4, v31  }
0x36: {  	s30 =	simm.s32 $0x4;
	v33 =	vadd.s32 v7, v24;
	v32 =	vor.u32 v17, v32;
	v38 =	vadd.s32 v9, v24;
	[tilespmem:s6+$0x71] =	vst v20  }
0x37: {  	s13 =	simm.s32 $0x6;
	v35 =	vmov s30;
	v34 =	vor.u32 v21, v34;
	v33 =	vor.u32 v23, v33;
	[tilespmem:s6+$0xFFFFFF8F] =	vst v19;
	v28 =	vld.idx.msk [tilespmem:v28+s15+$0x0], $0xffff  }
0x38: {  	v36 =	vmov s13;
	v34 =	vor.u32 v6, v34;
	v20 =	vadd.s32 v7, v18;
	v29 =	vld.idx.msk [tilespmem:v29+s15+$0x0], $0xffff;
	[tilespmem:s6+$0x0] =	vst v26  }
0x39: {  	v40 =	vshll.u32 v36, $0x7;
	v33 =	vor.u32 v6, v33;
	[tilespmem:s6+$0xFFFFFF1E] =	vst v27;
	v20 =	vor.u32 v16, v20;
	v27 =	vld.idx.msk [tilespmem:v30+s15+$0x0], $0xffff  }
0x3a: {  	v45 =	vadd.s32 v13, v24;
	v57 =	vadd.s32 v11, v24;
	v31 =	vld.idx.msk [tilespmem:v31+s15+$0x0], $0xffff;
	v53 =	vor.u32 v6, v20  }
0x3b: {  	s7 =	simm.s32 $0x5;
	v59 =	vadd.s32 v11, v18;
	v62 =	vor.u32 v17, v43;
	v37 =	vor.u32 v6, v32  }
0x3c: {  	v39 =	vor.u32 v21, v39;
	v32 =	vadd.s32 v13, v25;
	v30 =	vmov s7;
	[tilespmem:s6+$0x81] =	vst v28  }
0x3d: {  	v60 =	vor.u32 v21, v58;
	v55 =	vor.u32 v8, v39;
	v28 =	vshll.u32 v30, $0x7;
	[tilespmem:s6+$0xFFFFFF9F] =	vst v29;
	v34 =	vld.idx.msk [tilespmem:v34+s15+$0x0], $0xffff  }
0x3e: {  	v29 =	vadd.s32 v9, v18;
	[tilespmem:s6+$0x10] =	vst v27;
	v27 =	vshll.u32 v30, $0xA;
	v30 =	vor.u32 v23, v38;
	v33 =	vld.idx.msk [tilespmem:v33+s15+$0x0], $0xffff  }
0x3f: {  	v36 =	vshll.u32 v36, $0xA;
	[tilespmem:s6+$0xFFFFFF2E] =	vst v31;
	v29 =	vor.u32 v16, v29;
	v56 =	vor.u32 v8, v30;
	v41 =	vld.idx.msk [tilespmem:v53+s15+$0x0], $0xffff  }
0x40: {  	v61 =	vor.u32 v23, v57;
	v37 =	vld.idx.msk [tilespmem:v37+s15+$0x0], $0xffff;
	v30 =	vor.u32 v17, v54;
	v42 =	vor.u32 v8, v29  }
0x41: {  	s0 =	simm.s32 $0x1;
	v19 =	vshll.u32 v35, $0x7;
	v26 =	vshll.u32 v35, $0xA;
	v44 =	vor.u32 v8, v30  }
0x42: {  	s4 =	sshll.u32 s26, $0x2;
	s0 =	simm.s32 @!p0 $0x0;
	v39 =	vor.u32 v10, v61;
	v20 =	vand.u32 $0x200, v19;
	v19 =	vand.u32 $0x2000, v26;
	[tilespmem:s6+$0x91] =	vst v34  }
0x43: {  	s4 =	sand.u32 $0xFFFFFE00, s4;
	s0 =	sshll.u32 s0, $0x8;
	v26 =	vadd.s32 v15, v25;
	v25 =	vand.u32 $0x300, v40;
	v40 =	vor.u32 v10, v60;
	[tilespmem:s6+$0xFFFFFFAF] =	vst v33;
	v34 =	vld.idx.msk [tilespmem:v55+s15+$0x0], $0xffff  }
0x44: {  	s0 =	sor.u32 s0, s4;
	v31 =	vadd.s32 v5, v19;
	v28 =	vand.u32 $0x280, v28;
	v29 =	vadd.s32 v7, v19;
	v35 =	vld.idx.msk [tilespmem:v56+s15+$0x0], $0xffff;
	[tilespmem:s6+$0x20] =	vst v41  }
0x45: {  	s13 =	simm.s32 $0x8;
	s4 =	sshrl.u32 s0, $0x2;
	v30 =	vand.u32 $0x2000, v27;
	v27 =	vand.u32 $0x2000, v36;
	[tilespmem:s6+$0xFFFFFF3E] =	vst v37;
	v33 =	vor.u32 v16, v59;
	v36 =	vld.idx.msk [tilespmem:v42+s15+$0x0], $0xffff  }
0x46: {  	s29 =	sadd.s32 $0x10C30, s4;
	s31 =	sadd.s32 $0x10C20, s4;
	s0 =	sadd.s32 $0x10C10, s4;
	v63 =	vadd.s32 v3, v30;
	v43 =	vadd.s32 v3, v27;
	v38 =	vor.u32 v10, v33;
	v37 =	vld.idx.msk [tilespmem:v44+s15+$0x0], $0xffff  }
0x47: {  	s5 =	sadd.s32 $0x10C00, s4;
	s4 =	simm.s32 $0x7;
	s7 =	simm.s32 $0x10162;
	v41 =	vor.u32 v10, v62;
	v44 =	vor.u32 v28, v63;
	v42 =	vor.u32 v23, v45  }
.LBB2_3:
0x48: {  	p1 =	slt.u32 s13, $0xC;
	v33 =	vor.u32 v2, v44;
	v43 =	vor.u32 v25, v43;
	v44 =	vmov s4;
	[tilespmem:s6+$0xA1] =	vst v34  }
0x49: {  	v34 =	vor.u32 v2, v43;
	v43 =	vshll.u32 v44, $0xA;
	[tilespmem:s6+$0xFFFFFFBF] =	vst v35;
	v35 =	vld.idx.msk [tilespmem:v40+s15+$0x0], $0xffff;
	v40 =	vadd.s32 v13, v22  }
0x4a: {  	v44 =	vshll.u32 v44, $0x7;
	v43 =	vand.u32 $0x2000, v43;
	v39 =	vld.idx.msk [tilespmem:v39+s15+$0x0], $0xffff;
	[tilespmem:s6+$0x30] =	vst v36;
	v36 =	vor.u32 v21, v40  }
0x4b: {  	v44 =	vand.u32 $0x380, v44;
	v40 =	vadd.s32 v3, v43;
	[tilespmem:s6+$0xFFFFFF4E] =	vst v37;
	v37 =	vld.idx.msk [tilespmem:v38+s15+$0x0], $0xffff;
	v36 =	vor.u32 v12, v36  }
0x4c: {  	v38 =	vor.u32 v44, v40;
	v40 =	vld.idx.msk [tilespmem:v41+s15+$0x0], $0xffff;
	v41 =	vor.u32 v12, v42;
	v42 =	vadd.s32 v13, v18  }
0x4d: {  	v45 =	vadd.s32 v3, v19;
	v38 =	vor.u32 v2, v38;
	v42 =	vor.u32 v16, v42  }
0x4e: {  	v32 =	vor.u32 v17, v32;
	v46 =	vadd.s32 v15, v24;
	v33 =	vld.idx.msk [tilespmem:v33+s15+$0x0], $0xffff;
	v42 =	vor.u32 v12, v42  }
0x4f: {  	v24 =	vmov v30;
	v45 =	vor.u32 v20, v45;
	v32 =	vor.u32 v12, v32;
	v34 =	vld.idx.msk [tilespmem:v34+s15+$0x0], $0xffff;
	[tilespmem:s6+$0xB1] =	vst v35  }
0x50: {  	v30 =	vor.u32 v2, v45;
	[tilespmem:s6+$0xFFFFFFCF] =	vst v39;
	v35 =	vld.idx.msk [tilespmem:v36+s15+$0x0], $0xffff;
	v36 =	vadd.s32 v15, v22;
	v22 =	vmov v43  }
0x51: {  	v39 =	vld.idx.msk [tilespmem:v41+s15+$0x0], $0xffff;
	v41 =	vor.u32 v23, v46;
	[tilespmem:s6+$0x40] =	vst v37;
	v43 =	vor.u32 v21, v36;
	v21 =	vmov v44  }
0x52: {  	v37 =	vadd.s32 v5, v22;
	v23 =	vmov v28;
	v36 =	vld.idx.msk [tilespmem:v38+s15+$0x0], $0xffff;
	[tilespmem:s6+$0xFFFFFF5E] =	vst v40;
	v38 =	vor.u32 v14, v43  }
0x53: {  	v28 =	vadd.s32 v5, v24;
	v37 =	vor.u32 v21, v37;
	v40 =	vor.u32 v14, v41;
	v41 =	vld.idx.msk [tilespmem:v42+s15+$0x0], $0xffff  }
0x54: {  	v28 =	vor.u32 v23, v28;
	v42 =	vadd.s32 v5, v27;
	v37 =	vor.u32 v4, v37;
	v32 =	vld.idx.msk [tilespmem:v32+s15+$0x0], $0xffff  }
0x55: {  	v26 =	vor.u32 v17, v26;
	v28 =	vor.u32 v4, v28;
	v42 =	vor.u32 v25, v42;
	v30 =	vld.idx.msk [tilespmem:v30+s15+$0x0], $0xffff  }
0x56: {  	v18 =	vadd.s32 v15, v18;
	v43 =	vor.u32 v20, v31;
	v31 =	vor.u32 v4, v42;
	[tilespmem:s6+$0xC1] =	vst v35  }
0x57: {  	v17 =	vmov v20;
	v42 =	vor.u32 v16, v18;
	v35 =	vor.u32 v4, v43;
	s6 =	sadd.s32 $0x1C4, s6;
	[tilespmem:s7+$0xFFFFFFDF] =	vst v39;
	v38 =	vld.idx.msk [tilespmem:v38+s15+$0x0], $0xffff  }
0x58: {  	v20 =	vadd.s32 v7, v24;
	v16 =	vmov v25;
	v39 =	vor.u32 v14, v42;
	[tilespmem:s6+$0x71] =	vst v36;
	v36 =	vld.idx.msk [tilespmem:v40+s15+$0x0], $0xffff  }
0x59: {  	v25 =	vadd.s32 v7, v27;
	v18 =	vmov v27;
	[tilespmem:s6+$0xFFFFFF8F] =	vst v33;
	v33 =	vld.idx.msk [tilespmem:v37+s15+$0x0], $0xffff;
	v37 =	vadd.s32 v7, v22  }
0x5a: {  	v27 =	vmov s13;
	v28 =	vld.idx.msk [tilespmem:v28+s15+$0x0], $0xffff;
	[tilespmem:s6+$0x0] =	vst v34;
	v34 =	vor.u32 v21, v37;
	v37 =	vor.u32 v14, v26  }
0x5b: {  	v20 =	vor.u32 v23, v20;
	v26 =	vshll.u32 v27, $0x7;
	[tilespmem:s6+$0xFFFFFF1E] =	vst v30;
	v30 =	vld.idx.msk [tilespmem:v31+s15+$0x0], $0xffff;
	v31 =	vor.u32 v6, v34  }
0x5c: {  	s4 =	sadd.s32 $0x1, s13;
	v27 =	vshll.u32 v27, $0xA;
	v34 =	vld.idx.msk [tilespmem:v35+s15+$0x0], $0xffff;
	v35 =	vor.u32 v6, v20;
	v20 =	vor.u32 v16, v25;
	[tilespmem:s7+$0x50] =	vst v41  }
0x5d: {  	v29 =	vor.u32 v17, v29;
	v25 =	vmov s4;
	s4 =	sadd.s32 $0x2, s13;
	v40 =	vor.u32 v6, v20;
	v39 =	vld.idx.msk [tilespmem:v39+s15+$0x0], $0xffff;
	[tilespmem:s7+$0xD1] =	vst v38  }
0x5e: {  	v29 =	vor.u32 v6, v29;
	v20 =	vand.u32 $0x200, v26;
	v38 =	vmov s4;
	[tilespmem:s7+$0xFFFFFF6E] =	vst v32  }
0x5f: {  	v27 =	vand.u32 $0x2000, v27;
	v26 =	vadd.s32 v15, v19;
	v32 =	vadd.s32 v9, v19;
	[tilespmem:s6+$0x81] =	vst v33;
	v33 =	vld.idx.msk [tilespmem:v37+s15+$0x0], $0xffff  }
0x60: {  	v37 =	vshll.u32 v25, $0x7;
	[tilespmem:s6+$0xFFFFFF9F] =	vst v28;
	v28 =	vadd.s32 v9, v24;
	v41 =	vld.idx.msk [tilespmem:v31+s15+$0x0], $0xffff;
	v31 =	vadd.s32 v9, v22  }
0x61: {  	v42 =	vshll.u32 v38, $0x7;
	v35 =	vld.idx.msk [tilespmem:v35+s15+$0x0], $0xffff;
	[tilespmem:s6+$0x10] =	vst v30;
	v30 =	vadd.s32 v9, v18;
	v31 =	vor.u32 v21, v31  }
0x62: {  	v43 =	vshll.u32 v25, $0xA;
	v25 =	vor.u32 v23, v28;
	[tilespmem:s6+$0xFFFFFF2E] =	vst v34;
	v40 =	vld.idx.msk [tilespmem:v40+s15+$0x0], $0xffff;
	v34 =	vor.u32 v8, v31  }
0x63: {  	v38 =	vshll.u32 v38, $0xA;
	v45 =	vor.u32 v8, v25;
	v25 =	vor.u32 v16, v30;
	v44 =	vld.idx.msk [tilespmem:v29+s15+$0x0], $0xffff;
	[tilespmem:s7+$0xFFFFFFEF] =	vst v36  }
0x64: {  	v28 =	vor.u32 v17, v32;
	v32 =	vadd.s32 v13, v19;
	v36 =	vor.u32 v8, v25;
	[tilespmem:s7+$0x60] =	vst v39  }
0x65: {  	v46 =	vadd.s32 v11, v19;
	v29 =	vadd.s32 v7, v27;
	v39 =	vor.u32 v8, v28;
	[tilespmem:s7+$0xFFFFFF7E] =	vst v33;
	s7 =	smov.u32 s6  }
0x66: {  	v19 =	vmovc v27;
	v31 =	vadd.s32 v5, v27;
	v28 =	vand.u32 $0x280, v37;
	v33 =	vadd.s32 v13, v24;
	[tilespmem:s6+$0x91] =	vst v41  }
0x67: {  	v25 =	vand.u32 $0x300, v42;
	v27 =	vadd.s32 v11, v22;
	v37 =	vadd.s32 v11, v24;
	[tilespmem:s6+$0xFFFFFFAF] =	vst v35;
	v34 =	vld.idx.msk [tilespmem:v34+s15+$0x0], $0xffff  }
.Ltmp0:
0x68: {  	v30 =	vand.u32 $0x2000, v43;
	v41 =	vadd.s32 v11, v18;
	v35 =	vld.idx.msk [tilespmem:v45+s15+$0x0], $0xffff;
	[tilespmem:s6+$0x20] =	vst v40;
	v40 =	vor.u32 v21, v27;
	(pc) =	sbr.rel @p1 .LBB2_3-.Ltmp0, $4  }
0x69: {  	v27 =	vand.u32 $0x2000, v38;
	v38 =	vor.u32 v23, v37;
	[tilespmem:s6+$0xFFFFFF3E] =	vst v44;
	v36 =	vld.idx.msk [tilespmem:v36+s15+$0x0], $0xffff;
	v40 =	vor.u32 v10, v40  }
0x6a: {  	v42 =	vor.u32 v17, v46;
	v37 =	vld.idx.msk [tilespmem:v39+s15+$0x0], $0xffff;
	v39 =	vor.u32 v10, v38;
	v38 =	vor.u32 v16, v41  }
0x6b: {  	v43 =	vadd.s32 v3, v27;
	v41 =	vadd.s32 v3, v30;
	v38 =	vor.u32 v10, v38  }
0x6c: {  	s4 =	sadd.s32 $0x3, s13;
	s13 =	sadd.s32 $0x4, s13;
	v44 =	vor.u32 v28, v41;
	v41 =	vor.u32 v10, v42;
	v42 =	vor.u32 v23, v33  }
0x6d: {  	v45 =	vmov s4  }
0x6e: {  	v43 =	vor.u32 v25, v43;
	v60 =	vadd.s32 v13, v22;
	v33 =	vshll.u32 v45, $0xA  }
0x6f: {  	v44 =	vor.u32 v2, v44;
	v45 =	vshll.u32 v45, $0x7;
	v33 =	vand.u32 $0x2000, v33  }
0x70: {  	[tilespmem:s6+$0xA1] =	vst v34;
	v63 =	vadd.s32 v3, v19;
	v34 =	vand.u32 $0x380, v45;
	v46 =	vadd.s32 v3, v33  }
0x71: {  	v42 =	vor.u32 v12, v42;
	v48 =	vadd.s32 v13, v18;
	v59 =	vor.u32 v34, v46  }
0x72: {  	v52 =	vadd.s32 v5, v30;
	v32 =	vor.u32 v17, v32;
	v58 =	vld.idx.msk [tilespmem:v40+s15+$0x0], $0xffff;
	v40 =	vor.u32 v2, v59  }
0x73: {  	v53 =	vadd.s32 v5, v27;
	v24 =	vadd.s32 v15, v24;
	v31 =	vor.u32 v20, v31;
	[tilespmem:s6+$0x30] =	vst v36  }
0x74: {  	v55 =	vadd.s32 v7, v30;
	v43 =	vor.u32 v2, v43;
	v62 =	vld.idx.msk [tilespmem:v38+s15+$0x0], $0xffff;
	v38 =	vor.u32 v20, v63  }
0x75: {  	[tilespmem:s6+$0xFFFFFFBF] =	vst v35;
	v22 =	vadd.s32 v15, v22;
	v56 =	vadd.s32 v7, v27;
	v49 =	vor.u32 v2, v38  }
0x76: {  	v29 =	vor.u32 v20, v29;
	v17 =	vor.u32 v17, v26;
	v39 =	vld.idx.msk [tilespmem:v39+s15+$0x0], $0xffff;
	v50 =	vadd.s32 v5, v33  }
0x77: {  	v18 =	vadd.s32 v15, v18;
	v47 =	vadd.s32 v11, v27;
	v38 =	vor.u32 v34, v50;
	v51 =	vld.idx.msk [tilespmem:v40+s15+$0x0], $0xffff  }
0x78: {  	v61 =	vor.u32 v21, v60;
	v44 =	vld.idx.msk [tilespmem:v44+s15+$0x0], $0xffff;
	v38 =	vor.u32 v4, v38;
	v40 =	vor.u32 v28, v52  }
0x79: {  	[tilespmem:s6+$0xFFFFFF4E] =	vst v37;
	v37 =	vor.u32 v25, v53;
	v43 =	vld.idx.msk [tilespmem:v43+s15+$0x0], $0xffff;
	v40 =	vor.u32 v4, v40  }
0x7a: {  	v32 =	vor.u32 v12, v32;
	v31 =	vor.u32 v4, v31;
	v37 =	vor.u32 v4, v37;
	v35 =	vld.idx.msk [tilespmem:v49+s15+$0x0], $0xffff  }
0x7b: {  	s13 =	sadd.s32 $0x1C4, s6;
	v23 =	vor.u32 v23, v24;
	v21 =	vor.u32 v21, v22;
	v24 =	vor.u32 v25, v56;
	[tilespmem:s6+$0xFFFFFFCF] =	vst v39  }
0x7c: {  	v29 =	vor.u32 v6, v29;
	v60 =	vadd.s32 v9, v30;
	v54 =	vadd.s32 v7, v33;
	[tilespmem:s13+$0x71] =	vst v51  }
0x7d: {  	v36 =	vor.u32 v12, v61;
	v39 =	vor.u32 v34, v54;
	[tilespmem:s13+$0xFFFFFF8F] =	vst v44;
	v38 =	vld.idx.msk [tilespmem:v38+s15+$0x0], $0xffff  }
0x7e: {  	v39 =	vor.u32 v6, v39;
	v44 =	vor.u32 v28, v55;
	[tilespmem:s13+$0x0] =	vst v43;
	v40 =	vld.idx.msk [tilespmem:v40+s15+$0x0], $0xffff  }
0x7f: {  	v17 =	vor.u32 v14, v17;
	v57 =	vor.u32 v6, v44;
	v22 =	vld.idx.msk [tilespmem:v37+s15+$0x0], $0xffff;
	[tilespmem:s13+$0xFFFFFF1E] =	vst v35  }
0x80: {  	v45 =	vor.u32 v16, v48;
	v24 =	vor.u32 v6, v24;
	v21 =	vor.u32 v14, v21;
	v31 =	vld.idx.msk [tilespmem:v31+s15+$0x0], $0xffff  }
0x81: {  	v61 =	vadd.s32 v9, v19;
	v41 =	vld.idx.msk [tilespmem:v41+s15+$0x0], $0xffff;
	v59 =	vadd.s32 v9, v33;
	[tilespmem:s6+$0xB1] =	vst v58  }
0x82: {  	v23 =	vor.u32 v14, v23;
	v36 =	vld.idx.msk [tilespmem:v36+s15+$0x0], $0xffff;
	v37 =	vor.u32 v34, v59;
	[tilespmem:s13+$0x81] =	vst v38  }
0x83: {  	v45 =	vor.u32 v12, v45;
	v37 =	vor.u32 v8, v37;
	[tilespmem:s13+$0xFFFFFF9F] =	vst v40;
	v39 =	vld.idx.msk [tilespmem:v39+s15+$0x0], $0xffff  }
0x84: {  	[tilespmem:s13+$0x10] =	vst v22;
	v22 =	vadd.s32 v9, v27;
	v38 =	vor.u32 v28, v60;
	v40 =	vld.idx.msk [tilespmem:v57+s15+$0x0], $0xffff  }
0x85: {  	v24 =	vld.idx.msk [tilespmem:v24+s15+$0x0], $0xffff;
	v22 =	vor.u32 v25, v22;
	[tilespmem:s13+$0xFFFFFF2E] =	vst v31;
	v38 =	vor.u32 v8, v38  }
0x86: {  	[tilespmem:s6+$0x40] =	vst v62;
	v62 =	vor.u32 v20, v61;
	v22 =	vor.u32 v8, v22;
	v29 =	vld.idx.msk [tilespmem:v29+s15+$0x0], $0xffff  }
0x87: {  	v48 =	vadd.s32 v11, v19;
	v42 =	vld.idx.msk [tilespmem:v42+s15+$0x0], $0xffff;
	[tilespmem:s6+$0xFFFFFF5E] =	vst v41;
	v63 =	vor.u32 v8, v62  }
0x88: {  	v16 =	vor.u32 v16, v18;
	v58 =	vld.idx.msk [tilespmem:v45+s15+$0x0], $0xffff;
	v43 =	vadd.s32 v11, v33;
	[tilespmem:s13+$0x91] =	vst v39  }
0x89: {  	v44 =	vadd.s32 v11, v30;
	v31 =	vor.u32 v34, v43;
	[tilespmem:s13+$0xFFFFFFAF] =	vst v40;
	v37 =	vld.idx.msk [tilespmem:v37+s15+$0x0], $0xffff  }
0x8a: {  	v46 =	vor.u32 v28, v44;
	v31 =	vor.u32 v10, v31;
	[tilespmem:s13+$0x20] =	vst v24;
	v45 =	vld.idx.msk [tilespmem:v38+s15+$0x0], $0xffff  }
0x8b: {  	v24 =	vor.u32 v25, v47;
	v22 =	vld.idx.msk [tilespmem:v22+s15+$0x0], $0xffff;
	[tilespmem:s13+$0xFFFFFF3E] =	vst v29;
	v38 =	vor.u32 v10, v46  }
0x8c: {  	v49 =	vor.u32 v20, v48;
	[tilespmem:s6+$0xC1] =	vst v36;
	v24 =	vor.u32 v10, v24;
	v26 =	vld.idx.msk [tilespmem:v63+s15+$0x0], $0xffff  }
0x8d: {  	v50 =	vadd.s32 v13, v33;
	[tilespmem:s7+$0xFFFFFFDF] =	vst v42;
	v21 =	vld.idx.msk [tilespmem:v21+s15+$0x0], $0xffff;
	v29 =	vor.u32 v10, v49  }
0x8e: {  	v16 =	vor.u32 v14, v16;
	v52 =	vor.u32 v34, v50;
	v55 =	vadd.s32 v13, v19;
	[tilespmem:s13+$0xA1] =	vst v37  }
0x8f: {  	v36 =	vor.u32 v12, v52;
	v51 =	vadd.s32 v13, v30;
	[tilespmem:s13+$0xFFFFFFBF] =	vst v45;
	v31 =	vld.idx.msk [tilespmem:v31+s15+$0x0], $0xffff  }
0x90: {  	v53 =	vor.u32 v28, v51;
	[tilespmem:s13+$0x30] =	vst v22;
	v22 =	vadd.s32 v13, v27;
	v54 =	vld.idx.msk [tilespmem:v38+s15+$0x0], $0xffff  }
0x91: {  	v18 =	vor.u32 v12, v53;
	v24 =	vld.idx.msk [tilespmem:v24+s15+$0x0], $0xffff;
	v22 =	vor.u32 v25, v22;
	[tilespmem:s13+$0xFFFFFF4E] =	vst v26  }
0x92: {  	v56 =	vor.u32 v20, v55;
	[tilespmem:s7+$0xD1] =	vst v21;
	v22 =	vor.u32 v12, v22;
	v21 =	vld.idx.msk [tilespmem:v29+s15+$0x0], $0xffff  }
0x93: {  	v62 =	vadd.s32 v15, v27;
	v32 =	vld.idx.msk [tilespmem:v32+s15+$0x0], $0xffff;
	[tilespmem:s7+$0x50] =	vst v58;
	v26 =	vor.u32 v12, v56  }
0x94: {  	v19 =	vadd.s32 v15, v19;
	v23 =	vld.idx.msk [tilespmem:v23+s15+$0x0], $0xffff;
	v58 =	vadd.s32 v15, v33;
	[tilespmem:s13+$0xB1] =	vst v31  }
0x95: {  	v59 =	vadd.s32 v15, v30;
	[tilespmem:s13+$0xFFFFFFCF] =	vst v54;
	v31 =	vor.u32 v34, v58;
	v57 =	vld.idx.msk [tilespmem:v36+s15+$0x0], $0xffff  }
0x96: {  	v60 =	vor.u32 v28, v59;
	[tilespmem:s13+$0x40] =	vst v24;
	v18 =	vld.idx.msk [tilespmem:v18+s15+$0x0], $0xffff;
	v61 =	vor.u32 v14, v31  }
0x97: {  	v63 =	vor.u32 v25, v62;
	v22 =	vld.idx.msk [tilespmem:v22+s15+$0x0], $0xffff;
	[tilespmem:s13+$0xFFFFFF5E] =	vst v21;
	v21 =	vor.u32 v14, v60  }
0x98: {  	v19 =	vor.u32 v20, v19;
	[tilespmem:s7+$0xFFFFFF6E] =	vst v32;
	v20 =	vor.u32 v14, v63;
	v26 =	vld.idx.msk [tilespmem:v26+s15+$0x0], $0xffff  }
0x99: {  	v19 =	vor.u32 v14, v19;
	v16 =	vld.idx.msk [tilespmem:v16+s15+$0x0], $0xffff;
	[tilespmem:s7+$0xFFFFFFEF] =	vst v23  }
0x9a: {  	v17 =	vld.idx.msk [tilespmem:v17+s15+$0x0], $0xffff;
	[tilespmem:s13+$0xC1] =	vst v57  }
0x9b: {  	[tilespmem:s13+$0xFFFFFFDF] =	vst v18;
	v18 =	vld.idx.msk [tilespmem:v61+s15+$0x0], $0xffff  }
0x9c: {  	[tilespmem:s13+$0x50] =	vst v22;
	v21 =	vld.idx.msk [tilespmem:v21+s15+$0x0], $0xffff  }
0x9d: {  	v20 =	vld.idx.msk [tilespmem:v20+s15+$0x0], $0xffff;
	[tilespmem:s13+$0xFFFFFF6E] =	vst v26  }
0x9e: {  	[tilespmem:s7+$0x60] =	vst v16;
	v16 =	vld.idx.msk [tilespmem:v19+s15+$0x0], $0xffff  }
0x9f: {  	[tilespmem:s7+$0xFFFFFF7E] =	vst v17;
	s7 =	simm.s32 $0x1;
	v17 =	vadd.s32 s2, v1  }
0xa0: {  	s4 =	simm.s32 $0x2;
	[tilespmem:s13+$0xD1] =	vst v18;
	v18 =	vadd.s32 s7, v1  }
0xa1: {  	[tilespmem:s13+$0xFFFFFFEF] =	vst v21;
	v21 =	vadd.s32 s4, v1  }
0xa2: {  	[tilespmem:s13+$0x60] =	vst v20;
	v20 =	vadd.s32 s1, v1  }
0xa3: {  	s6 =	simm.s32 $0x7;
	[tilespmem:s13+$0xFFFFFF7E] =	vst v16  }
0xa4: {  	v23 =	vadd.s32 s6, v1;
	s7 =	simm.s32 $0x5;
	v17 =	vld.idx.msk [tilespmem:v17+s19+$0x0], $0xffff  }
0xa5: {  	s13 =	simm.s32 $0x6;
	v22 =	vadd.s32 s7, v1;
	v19 =	vld.idx.msk [tilespmem:v18+s19+$0x0], $0xffff  }
0xa6: {  	v18 =	vld.idx.msk [tilespmem:v21+s19+$0x0], $0xffff;
	v21 =	vadd.s32 s13, v1  }
0xa7: {  	s1 =	simm.s32 $0x8;
	v16 =	vld.idx.msk [tilespmem:v20+s19+$0x0], $0xffff;
	v20 =	vadd.s32 s30, v1  }
.LBB2_5:
0xa8: {  	s2 =	sadd.s32 $0x3, s1  }
0xa9: {  	p1 =	slt.u32 s1, $0x60;
	[tilespmem:s5+$0x200] =	vst v17;
	v17 =	vld.idx.msk [tilespmem:v23+s19+$0x0], $0xffff;
	s4 =	smov.u32 s1;
	s1 =	sadd.s32 $0x4, s1  }
.Ltmp1:
0xaa: {  	s6 =	sadd.s32 $0x1, s4;
	v23 =	vadd.s32 s2, v1;
	[tilespmem:s5+$0xFFFFFE00] =	vst v19;
	v19 =	vld.idx.msk [tilespmem:v22+s19+$0x0], $0xffff;
	(pc) =	sbr.rel @p1 .LBB2_5-.Ltmp1, $4  }
0xab: {  	s2 =	sadd.s32 $0x2, s4;
	v22 =	vadd.s32 s6, v1;
	[tilespmem:s5+$0x0] =	vst v18;
	v18 =	vld.idx.msk [tilespmem:v21+s19+$0x0], $0xffff  }
0xac: {  	v21 =	vadd.s32 s2, v1;
	[tilespmem:s5+$0xFFFFFC00] =	vst v16;
	v16 =	vld.idx.msk [tilespmem:v20+s19+$0x0], $0xffff  }
0xad: {  	v20 =	vadd.s32 s4, v1  }
0xae: {  	s5 =	sadd.s32 $0x800, s5  }
0xaf: {  	_ =	sdelay $0x3  }
0xb0: {  	s1 =	simm.s32 $0x0;
	v23 =	vld.idx.msk [tilespmem:v23+s19+$0x0], $0xffff;
	s6 =	simm.s32 $0x2  }
0xb1: {  	s2 =	simm.s32 $0x1;
	[tilespmem:s5+$0xFFFFFE00] =	vst v19;
	v19 =	vld.idx.msk [tilespmem:v21+s19+$0x0], $0xffff;
	v24 =	vmov s1;
	v21 =	vmov s6  }
0xb2: {  	[tilespmem:s5+$0x200] =	vst v17;
	v26 =	vld.idx.msk [tilespmem:v22+s19+$0x0], $0xffff;
	v25 =	vshll.u32 v24, $0x7;
	v22 =	vshll.u32 v24, $0xA;
	v24 =	vmov s2  }
0xb3: {  	[tilespmem:s5+$0x0] =	vst v18;
	s2 =	simm.s32 $0x3;
	v18 =	vshll.u32 v21, $0x7;
	v17 =	vand.u32 $0x200, v25;
	v25 =	vand.u32 $0x2000, v22  }
0xb4: {  	v27 =	vld.idx.msk [tilespmem:v20+s19+$0x0], $0xffff;
	v22 =	vshll.u32 v24, $0x7;
	v20 =	vshll.u32 v24, $0xA;
	v24 =	vmov s2  }
0xb5: {  	s4 =	sadd.s32 $0x800, s5;
	[tilespmem:s5+$0xFFFFFC00] =	vst v16;
	v28 =	vshll.u32 v21, $0xA;
	v16 =	vand.u32 $0x300, v18;
	v21 =	vshll.u32 v24, $0xA  }
0xb6: {  	v22 =	vand.u32 $0x280, v22;
	v18 =	vshll.u32 v24, $0x7;
	[tilespmem:s4+$0x200] =	vst v23;
	v21 =	vand.u32 $0x2000, v21  }
0xb7: {  	v24 =	vand.u32 $0x2000, v20;
	[tilespmem:s4+$0xFFFFFE00] =	vst v26;
	v20 =	vand.u32 $0x380, v18;
	v23 =	vadd.s32 v3, v21  }
0xb8: {  	s30 =	sshll.u32 s28, $0xD;
	p1 =	seq.s32 s28, $0x7;
	[tilespmem:s4+$0x0] =	vst v19;
	v18 =	vand.u32 $0x2000, v28;
	v19 =	vadd.s32 v3, v24;
	v23 =	vor.u32 v20, v23  }
0xb9: {  	s6 =	simm.s32 @!p1 $0x80;
	s5 =	simm.s32 @!p1 $0x0;
	[tilespmem:s4+$0xFFFFFC00] =	vst v27;
	s4 =	sadd.s32 @!p1 s30, s8;
	v26 =	vadd.s32 v3, v18;
	v19 =	vor.u32 v22, v19;
	v23 =	vor.u32 v2, v23  }
0xba: {  	v27 =	vadd.s32 v3, v25;
	[tilespmem:s6], [sflag:$0x1] =	stream.linear.gather @!p1 [hbm4b:s4+s5], $0x4000, $0x38;
	v19 =	vor.u32 v2, v19;
	v26 =	vor.u32 v16, v26;
	[tilespmem:$0x1D000] =	vst v63  }
0xbb: {  	v27 =	vor.u32 v17, v27;
	_ =	swait.ge [sflag:s20], $0x4000;
	v26 =	vor.u32 v2, v26  }
0xbc: {  	v27 =	vor.u32 v2, v27;
	[sflag:s20] =	ssyncset.done $0x0  }
0xbd: {  	v31 =	vadd.s32 v5, v25;
	v32 =	vadd.s32 v7, v25;
	v28 =	vadd.s32 v5, v21;
	[sflag:s20] =	ssyncadd.s32 $0xFFFFC000  }
0xbe: {  	v54 =	vadd.s32 v9, v25;
	v29 =	vadd.s32 v5, v24;
	v28 =	vor.u32 v20, v28;
	v23 =	vld.idx.msk [tilespmem:v23+s16+$0x0], $0xffff  }
0xbf: {  	v29 =	vor.u32 v22, v29;
	v30 =	vadd.s32 v5, v18;
	v28 =	vor.u32 v4, v28;
	v19 =	vld.idx.msk [tilespmem:v19+s16+$0x0], $0xffff  }
0xc0: {  	v45 =	vadd.s32 v11, v25;
	v29 =	vor.u32 v4, v29;
	v30 =	vor.u32 v16, v30;
	v26 =	vld.idx.msk [tilespmem:v26+s16+$0x0], $0xffff  }
0xc1: {  	v31 =	vor.u32 v17, v31;
	v33 =	vadd.s32 v7, v24;
	v30 =	vor.u32 v4, v30;
	v27 =	vld.idx.msk [tilespmem:v27+s16+$0x0], $0xffff  }
0xc2: {  	v32 =	vor.u32 v17, v32;
	v38 =	vadd.s32 v9, v24;
	s6 =	simm.s32 $0x10162;
	v31 =	vor.u32 v4, v31  }
0xc3: {  	s13 =	simm.s32 $0x6;
	v46 =	vadd.s32 v13, v24;
	v57 =	vadd.s32 v11, v24;
	v34 =	vadd.s32 v7, v21;
	[tilespmem:s6+$0x71] =	vst v23  }
0xc4: {  	v36 =	vmov s13;
	v33 =	vor.u32 v22, v33;
	v34 =	vor.u32 v20, v34;
	[tilespmem:s6+$0xFFFFFF8F] =	vst v19;
	v28 =	vld.idx.msk [tilespmem:v28+s16+$0x0], $0xffff  }
0xc5: {  	v40 =	vshll.u32 v36, $0x7;
	v34 =	vor.u32 v6, v34;
	v23 =	vadd.s32 v7, v18;
	v29 =	vld.idx.msk [tilespmem:v29+s16+$0x0], $0xffff;
	[tilespmem:s6+$0x0] =	vst v26  }
0xc6: {  	v36 =	vshll.u32 v36, $0xA;
	v33 =	vor.u32 v6, v33;
	[tilespmem:s6+$0xFFFFFF1E] =	vst v27;
	v23 =	vor.u32 v16, v23;
	v27 =	vld.idx.msk [tilespmem:v30+s16+$0x0], $0xffff  }
0xc7: {  	v62 =	vor.u32 v17, v45;
	v37 =	vor.u32 v6, v32;
	v31 =	vld.idx.msk [tilespmem:v31+s16+$0x0], $0xffff;
	v53 =	vor.u32 v6, v23  }
0xc8: {  	v39 =	vadd.s32 v9, v21;
	v32 =	vadd.s32 v13, v25;
	v58 =	vadd.s32 v11, v21  }
0xc9: {  	s7 =	simm.s32 $0x5;
	v59 =	vadd.s32 v11, v18;
	v61 =	vor.u32 v22, v57;
	v39 =	vor.u32 v20, v39;
	[tilespmem:s6+$0x81] =	vst v28  }
0xca: {  	v55 =	vor.u32 v8, v39;
	v30 =	vmov s7;
	[tilespmem:s6+$0xFFFFFF9F] =	vst v29;
	v29 =	vadd.s32 v9, v18;
	v34 =	vld.idx.msk [tilespmem:v34+s16+$0x0], $0xffff  }
0xcb: {  	s5 =	simm.s32 $0x4;
	v28 =	vshll.u32 v30, $0x7;
	[tilespmem:s6+$0x10] =	vst v27;
	v27 =	vshll.u32 v30, $0xA;
	v30 =	vor.u32 v22, v38;
	v33 =	vld.idx.msk [tilespmem:v33+s16+$0x0], $0xffff  }
0xcc: {  	v35 =	vmov s5;
	[tilespmem:s6+$0xFFFFFF2E] =	vst v31;
	v29 =	vor.u32 v16, v29;
	v56 =	vor.u32 v8, v30;
	v41 =	vld.idx.msk [tilespmem:v53+s16+$0x0], $0xffff  }
0xcd: {  	v60 =	vor.u32 v20, v58;
	v37 =	vld.idx.msk [tilespmem:v37+s16+$0x0], $0xffff;
	v30 =	vor.u32 v17, v54;
	v43 =	vor.u32 v8, v29  }
0xce: {  	v42 =	vor.u32 v10, v60;
	v19 =	vshll.u32 v35, $0x7;
	v44 =	vor.u32 v8, v30  }
0xcf: {  	v39 =	vor.u32 v10, v62;
	v26 =	vshll.u32 v35, $0xA;
	v23 =	vand.u32 $0x200, v19;
	[tilespmem:s6+$0x91] =	vst v34  }
0xd0: {  	v19 =	vand.u32 $0x2000, v26;
	v26 =	vadd.s32 v15, v25;
	v25 =	vand.u32 $0x300, v40;
	[tilespmem:s6+$0xFFFFFFAF] =	vst v33;
	v34 =	vld.idx.msk [tilespmem:v55+s16+$0x0], $0xffff  }
0xd1: {  	v40 =	vor.u32 v22, v46;
	v31 =	vadd.s32 v5, v19;
	v30 =	vand.u32 $0x2000, v27;
	v35 =	vld.idx.msk [tilespmem:v56+s16+$0x0], $0xffff;
	[tilespmem:s6+$0x20] =	vst v41  }
0xd2: {  	v27 =	vand.u32 $0x2000, v36;
	[tilespmem:s6+$0xFFFFFF3E] =	vst v37;
	v33 =	vor.u32 v16, v59;
	v41 =	vor.u32 v10, v61;
	v36 =	vld.idx.msk [tilespmem:v43+s16+$0x0], $0xffff  }
0xd3: {  	v28 =	vand.u32 $0x280, v28;
	v63 =	vadd.s32 v3, v30;
	v38 =	vor.u32 v10, v33;
	v37 =	vld.idx.msk [tilespmem:v44+s16+$0x0], $0xffff  }
0xd4: {  	s13 =	simm.s32 $0x8;
	s4 =	simm.s32 $0x7;
	s7 =	simm.s32 $0x10162;
	v29 =	vadd.s32 v7, v19;
	v43 =	vadd.s32 v3, v27;
	v44 =	vor.u32 v28, v63  }
.LBB2_7:
0xd5: {  	p2 =	slt.u32 s13, $0xC;
	v33 =	vor.u32 v2, v44;
	v43 =	vor.u32 v25, v43;
	v44 =	vmov s4;
	[tilespmem:s6+$0xA1] =	vst v34  }
0xd6: {  	v34 =	vor.u32 v2, v43;
	v43 =	vshll.u32 v44, $0xA;
	[tilespmem:s6+$0xFFFFFFBF] =	vst v35;
	v35 =	vld.idx.msk [tilespmem:v42+s16+$0x0], $0xffff;
	v42 =	vadd.s32 v13, v21  }
0xd7: {  	v44 =	vshll.u32 v44, $0x7;
	v43 =	vand.u32 $0x2000, v43;
	v41 =	vld.idx.msk [tilespmem:v41+s16+$0x0], $0xffff;
	[tilespmem:s6+$0x30] =	vst v36;
	v36 =	vor.u32 v20, v42  }
0xd8: {  	v44 =	vand.u32 $0x380, v44;
	v42 =	vadd.s32 v3, v43;
	[tilespmem:s6+$0xFFFFFF4E] =	vst v37;
	v37 =	vld.idx.msk [tilespmem:v38+s16+$0x0], $0xffff;
	v36 =	vor.u32 v12, v36  }
0xd9: {  	v40 =	vor.u32 v12, v40;
	v38 =	vor.u32 v44, v42;
	v39 =	vld.idx.msk [tilespmem:v39+s16+$0x0], $0xffff;
	v42 =	vadd.s32 v13, v18  }
0xda: {  	v45 =	vadd.s32 v3, v19;
	v38 =	vor.u32 v2, v38;
	v42 =	vor.u32 v16, v42  }
0xdb: {  	v32 =	vor.u32 v17, v32;
	v46 =	vadd.s32 v15, v24;
	v33 =	vld.idx.msk [tilespmem:v33+s16+$0x0], $0xffff;
	v42 =	vor.u32 v12, v42  }
0xdc: {  	v24 =	vmov v30;
	v45 =	vor.u32 v23, v45;
	v32 =	vor.u32 v12, v32;
	v34 =	vld.idx.msk [tilespmem:v34+s16+$0x0], $0xffff;
	[tilespmem:s6+$0xB1] =	vst v35  }
0xdd: {  	v30 =	vor.u32 v2, v45;
	[tilespmem:s6+$0xFFFFFFCF] =	vst v41;
	v35 =	vld.idx.msk [tilespmem:v36+s16+$0x0], $0xffff;
	v36 =	vadd.s32 v15, v21;
	v21 =	vmov v43  }
0xde: {  	v41 =	vor.u32 v22, v46;
	v40 =	vld.idx.msk [tilespmem:v40+s16+$0x0], $0xffff;
	[tilespmem:s6+$0x40] =	vst v37;
	v43 =	vor.u32 v20, v36;
	v20 =	vmov v44  }
0xdf: {  	v22 =	vmov v28;
	v37 =	vadd.s32 v5, v21;
	v36 =	vld.idx.msk [tilespmem:v38+s16+$0x0], $0xffff;
	[tilespmem:s6+$0xFFFFFF5E] =	vst v39;
	v38 =	vor.u32 v14, v43  }
0xe0: {  	v28 =	vadd.s32 v5, v24;
	v37 =	vor.u32 v20, v37;
	v39 =	vor.u32 v14, v41;
	v41 =	vld.idx.msk [tilespmem:v42+s16+$0x0], $0xffff  }
0xe1: {  	v28 =	vor.u32 v22, v28;
	v42 =	vadd.s32 v5, v27;
	v37 =	vor.u32 v4, v37;
	v32 =	vld.idx.msk [tilespmem:v32+s16+$0x0], $0xffff  }
0xe2: {  	v26 =	vor.u32 v17, v26;
	v28 =	vor.u32 v4, v28;
	v42 =	vor.u32 v25, v42;
	v30 =	vld.idx.msk [tilespmem:v30+s16+$0x0], $0xffff  }
0xe3: {  	v18 =	vadd.s32 v15, v18;
	v43 =	vor.u32 v23, v31;
	v31 =	vor.u32 v4, v42;
	[tilespmem:s6+$0xC1] =	vst v35  }
0xe4: {  	v17 =	vmov v23;
	v35 =	vor.u32 v4, v43;
	s6 =	sadd.s32 $0x1C4, s6;
	[tilespmem:s7+$0xFFFFFFDF] =	vst v40;
	v40 =	vor.u32 v16, v18;
	v38 =	vld.idx.msk [tilespmem:v38+s16+$0x0], $0xffff  }
0xe5: {  	v23 =	vadd.s32 v7, v24;
	v16 =	vmov v25;
	[tilespmem:s6+$0x71] =	vst v36;
	v36 =	vld.idx.msk [tilespmem:v39+s16+$0x0], $0xffff;
	v39 =	vor.u32 v14, v40  }
0xe6: {  	v25 =	vadd.s32 v7, v27;
	v18 =	vmov v27;
	[tilespmem:s6+$0xFFFFFF8F] =	vst v33;
	v33 =	vld.idx.msk [tilespmem:v37+s16+$0x0], $0xffff;
	v37 =	vadd.s32 v7, v21  }
0xe7: {  	v27 =	vmov s13;
	v28 =	vld.idx.msk [tilespmem:v28+s16+$0x0], $0xffff;
	[tilespmem:s6+$0x0] =	vst v34;
	v34 =	vor.u32 v20, v37;
	v37 =	vor.u32 v14, v26  }
0xe8: {  	v23 =	vor.u32 v22, v23;
	v26 =	vshll.u32 v27, $0x7;
	[tilespmem:s6+$0xFFFFFF1E] =	vst v30;
	v30 =	vld.idx.msk [tilespmem:v31+s16+$0x0], $0xffff;
	v31 =	vor.u32 v6, v34  }
0xe9: {  	s4 =	sadd.s32 $0x1, s13;
	v27 =	vshll.u32 v27, $0xA;
	v34 =	vld.idx.msk [tilespmem:v35+s16+$0x0], $0xffff;
	v35 =	vor.u32 v6, v23;
	v23 =	vor.u32 v16, v25;
	[tilespmem:s7+$0x50] =	vst v41  }
0xea: {  	v29 =	vor.u32 v17, v29;
	v25 =	vmov s4;
	s4 =	sadd.s32 $0x2, s13;
	v40 =	vor.u32 v6, v23;
	v39 =	vld.idx.msk [tilespmem:v39+s16+$0x0], $0xffff;
	[tilespmem:s7+$0xD1] =	vst v38  }
0xeb: {  	v29 =	vor.u32 v6, v29;
	v23 =	vand.u32 $0x200, v26;
	v38 =	vmov s4;
	[tilespmem:s7+$0xFFFFFF6E] =	vst v32  }
0xec: {  	v27 =	vand.u32 $0x2000, v27;
	v26 =	vadd.s32 v15, v19;
	v32 =	vadd.s32 v9, v19;
	[tilespmem:s6+$0x81] =	vst v33;
	v33 =	vld.idx.msk [tilespmem:v37+s16+$0x0], $0xffff  }
0xed: {  	v37 =	vshll.u32 v25, $0x7;
	[tilespmem:s6+$0xFFFFFF9F] =	vst v28;
	v28 =	vadd.s32 v9, v24;
	v41 =	vld.idx.msk [tilespmem:v31+s16+$0x0], $0xffff;
	v31 =	vadd.s32 v9, v21  }
0xee: {  	v42 =	vshll.u32 v38, $0x7;
	v35 =	vld.idx.msk [tilespmem:v35+s16+$0x0], $0xffff;
	[tilespmem:s6+$0x10] =	vst v30;
	v30 =	vadd.s32 v9, v18;
	v31 =	vor.u32 v20, v31  }
0xef: {  	v43 =	vshll.u32 v25, $0xA;
	v25 =	vor.u32 v22, v28;
	[tilespmem:s6+$0xFFFFFF2E] =	vst v34;
	v40 =	vld.idx.msk [tilespmem:v40+s16+$0x0], $0xffff;
	v34 =	vor.u32 v8, v31  }
0xf0: {  	v38 =	vshll.u32 v38, $0xA;
	v45 =	vor.u32 v8, v25;
	v25 =	vor.u32 v16, v30;
	v44 =	vld.idx.msk [tilespmem:v29+s16+$0x0], $0xffff;
	[tilespmem:s7+$0xFFFFFFEF] =	vst v36  }
0xf1: {  	v28 =	vor.u32 v17, v32;
	v32 =	vadd.s32 v13, v19;
	v36 =	vor.u32 v8, v25;
	[tilespmem:s7+$0x60] =	vst v39  }
0xf2: {  	v46 =	vadd.s32 v11, v19;
	v29 =	vadd.s32 v7, v27;
	v39 =	vor.u32 v8, v28;
	[tilespmem:s7+$0xFFFFFF7E] =	vst v33;
	s7 =	smov.u32 s6  }
0xf3: {  	v19 =	vmovc v27;
	v31 =	vadd.s32 v5, v27;
	v28 =	vand.u32 $0x280, v37;
	v33 =	vadd.s32 v13, v24;
	[tilespmem:s6+$0x91] =	vst v41  }
0xf4: {  	v25 =	vand.u32 $0x300, v42;
	v27 =	vadd.s32 v11, v21;
	v37 =	vadd.s32 v11, v24;
	[tilespmem:s6+$0xFFFFFFAF] =	vst v35;
	v34 =	vld.idx.msk [tilespmem:v34+s16+$0x0], $0xffff  }
.Ltmp2:
0xf5: {  	v30 =	vand.u32 $0x2000, v43;
	v41 =	vor.u32 v20, v27;
	v35 =	vld.idx.msk [tilespmem:v45+s16+$0x0], $0xffff;
	[tilespmem:s6+$0x20] =	vst v40;
	v40 =	vadd.s32 v11, v18;
	(pc) =	sbr.rel @p2 .LBB2_7-.Ltmp2, $4  }
0xf6: {  	v27 =	vand.u32 $0x2000, v38;
	v38 =	vor.u32 v22, v37;
	v42 =	vor.u32 v10, v41;
	[tilespmem:s6+$0xFFFFFF3E] =	vst v44;
	v36 =	vld.idx.msk [tilespmem:v36+s16+$0x0], $0xffff  }
0xf7: {  	v41 =	vor.u32 v10, v38;
	v38 =	vor.u32 v16, v40;
	v37 =	vld.idx.msk [tilespmem:v39+s16+$0x0], $0xffff;
	v39 =	vor.u32 v17, v46  }
0xf8: {  	v43 =	vadd.s32 v3, v27;
	v40 =	vadd.s32 v3, v30;
	v38 =	vor.u32 v10, v38  }
0xf9: {  	s4 =	sadd.s32 $0x3, s13;
	s13 =	sadd.s32 $0x4, s13;
	v44 =	vor.u32 v28, v40;
	v40 =	vor.u32 v22, v33;
	v39 =	vor.u32 v10, v39  }
0xfa: {  	v45 =	vmov s4  }
0xfb: {  	v43 =	vor.u32 v25, v43;
	v58 =	vadd.s32 v13, v21;
	v33 =	vshll.u32 v45, $0xA  }
0xfc: {  	v44 =	vor.u32 v2, v44;
	v45 =	vshll.u32 v45, $0x7;
	v33 =	vand.u32 $0x2000, v33  }
0xfd: {  	[tilespmem:s6+$0xA1] =	vst v34;
	v61 =	vadd.s32 v3, v19;
	v34 =	vand.u32 $0x380, v45;
	v46 =	vadd.s32 v3, v33  }
0xfe: {  	v40 =	vor.u32 v12, v40;
	v62 =	vadd.s32 v13, v18;
	v57 =	vor.u32 v34, v46  }
0xff: {  	v50 =	vadd.s32 v5, v30;
	v32 =	vor.u32 v17, v32;
	v56 =	vld.idx.msk [tilespmem:v42+s16+$0x0], $0xffff;
	v42 =	vor.u32 v2, v57  }
0x100: {  	v51 =	vadd.s32 v5, v27;
	v24 =	vadd.s32 v15, v24;
	v31 =	vor.u32 v23, v31;
	[tilespmem:s6+$0x30] =	vst v36  }
0x101: {  	v53 =	vadd.s32 v7, v30;
	v43 =	vor.u32 v2, v43;
	v60 =	vld.idx.msk [tilespmem:v38+s16+$0x0], $0xffff;
	v38 =	vor.u32 v23, v61  }
0x102: {  	[tilespmem:s6+$0xFFFFFFBF] =	vst v35;
	v21 =	vadd.s32 v15, v21;
	v54 =	vadd.s32 v7, v27;
	v63 =	vor.u32 v2, v38  }
0x103: {  	v29 =	vor.u32 v23, v29;
	v17 =	vor.u32 v17, v26;
	v41 =	vld.idx.msk [tilespmem:v41+s16+$0x0], $0xffff;
	v48 =	vadd.s32 v5, v33  }
0x104: {  	v18 =	vadd.s32 v15, v18;
	v47 =	vadd.s32 v11, v19;
	v38 =	vor.u32 v34, v48;
	v49 =	vld.idx.msk [tilespmem:v42+s16+$0x0], $0xffff  }
0x105: {  	v59 =	vor.u32 v20, v58;
	v44 =	vld.idx.msk [tilespmem:v44+s16+$0x0], $0xffff;
	v38 =	vor.u32 v4, v38;
	v42 =	vor.u32 v28, v50  }
0x106: {  	[tilespmem:s6+$0xFFFFFF4E] =	vst v37;
	v37 =	vor.u32 v25, v51;
	v43 =	vld.idx.msk [tilespmem:v43+s16+$0x0], $0xffff;
	v42 =	vor.u32 v4, v42  }
0x107: {  	v32 =	vor.u32 v12, v32;
	v31 =	vor.u32 v4, v31;
	v37 =	vor.u32 v4, v37;
	v35 =	vld.idx.msk [tilespmem:v63+s16+$0x0], $0xffff  }
0x108: {  	s13 =	sadd.s32 $0x1C4, s6;
	v22 =	vor.u32 v22, v24;
	v20 =	vor.u32 v20, v21;
	v24 =	vor.u32 v25, v54;
	[tilespmem:s6+$0xFFFFFFCF] =	vst v41  }
0x109: {  	v29 =	vor.u32 v6, v29;
	v58 =	vadd.s32 v9, v30;
	v52 =	vadd.s32 v7, v33;
	[tilespmem:s13+$0x71] =	vst v49  }
0x10a: {  	v36 =	vor.u32 v12, v59;
	v41 =	vor.u32 v34, v52;
	[tilespmem:s13+$0xFFFFFF8F] =	vst v44;
	v38 =	vld.idx.msk [tilespmem:v38+s16+$0x0], $0xffff  }
0x10b: {  	v41 =	vor.u32 v6, v41;
	v44 =	vor.u32 v28, v53;
	[tilespmem:s13+$0x0] =	vst v43;
	v42 =	vld.idx.msk [tilespmem:v42+s16+$0x0], $0xffff  }
0x10c: {  	v54 =	vadd.s32 v13, v19;
	v55 =	vor.u32 v6, v44;
	v21 =	vld.idx.msk [tilespmem:v37+s16+$0x0], $0xffff;
	[tilespmem:s13+$0xFFFFFF1E] =	vst v35  }
0x10d: {  	v17 =	vor.u32 v14, v17;
	v24 =	vor.u32 v6, v24;
	[tilespmem:s6+$0xB1] =	vst v56;
	v31 =	vld.idx.msk [tilespmem:v31+s16+$0x0], $0xffff  }
0x10e: {  	v45 =	vor.u32 v16, v62;
	v39 =	vld.idx.msk [tilespmem:v39+s16+$0x0], $0xffff;
	v57 =	vadd.s32 v9, v33;
	[tilespmem:s6+$0x40] =	vst v60  }
0x10f: {  	v61 =	vadd.s32 v9, v19;
	v36 =	vld.idx.msk [tilespmem:v36+s16+$0x0], $0xffff;
	v37 =	vor.u32 v34, v57;
	[tilespmem:s13+$0x81] =	vst v38  }
0x110: {  	v45 =	vor.u32 v12, v45;
	v37 =	vor.u32 v8, v37;
	[tilespmem:s13+$0xFFFFFF9F] =	vst v42;
	v59 =	vld.idx.msk [tilespmem:v41+s16+$0x0], $0xffff  }
0x111: {  	[tilespmem:s13+$0x10] =	vst v21;
	v21 =	vadd.s32 v9, v27;
	v38 =	vor.u32 v28, v58;
	v60 =	vld.idx.msk [tilespmem:v55+s16+$0x0], $0xffff  }
0x112: {  	v24 =	vld.idx.msk [tilespmem:v24+s16+$0x0], $0xffff;
	v21 =	vor.u32 v25, v21;
	[tilespmem:s13+$0xFFFFFF2E] =	vst v31;
	v38 =	vor.u32 v8, v38  }
0x113: {  	v20 =	vor.u32 v14, v20;
	v62 =	vor.u32 v23, v61;
	v21 =	vor.u32 v8, v21;
	v29 =	vld.idx.msk [tilespmem:v29+s16+$0x0], $0xffff  }
0x114: {  	v22 =	vor.u32 v14, v22;
	v40 =	vld.idx.msk [tilespmem:v40+s16+$0x0], $0xffff;
	[tilespmem:s6+$0xFFFFFF5E] =	vst v39;
	v63 =	vor.u32 v8, v62  }
0x115: {  	v46 =	vadd.s32 v11, v27;
	v56 =	vld.idx.msk [tilespmem:v45+s16+$0x0], $0xffff;
	v42 =	vadd.s32 v11, v33;
	[tilespmem:s13+$0x91] =	vst v59  }
0x116: {  	v43 =	vadd.s32 v11, v30;
	v31 =	vor.u32 v34, v42;
	[tilespmem:s13+$0xFFFFFFAF] =	vst v60;
	v37 =	vld.idx.msk [tilespmem:v37+s16+$0x0], $0xffff  }
0x117: {  	v45 =	vor.u32 v28, v43;
	v31 =	vor.u32 v10, v31;
	[tilespmem:s13+$0x20] =	vst v24;
	v44 =	vld.idx.msk [tilespmem:v38+s16+$0x0], $0xffff  }
0x118: {  	v24 =	vor.u32 v25, v46;
	v21 =	vld.idx.msk [tilespmem:v21+s16+$0x0], $0xffff;
	[tilespmem:s13+$0xFFFFFF3E] =	vst v29;
	v38 =	vor.u32 v10, v45  }
0x119: {  	v48 =	vor.u32 v23, v47;
	[tilespmem:s6+$0xC1] =	vst v36;
	v24 =	vor.u32 v10, v24;
	v26 =	vld.idx.msk [tilespmem:v63+s16+$0x0], $0xffff  }
0x11a: {  	v16 =	vor.u32 v16, v18;
	[tilespmem:s7+$0xFFFFFFDF] =	vst v40;
	v20 =	vld.idx.msk [tilespmem:v20+s16+$0x0], $0xffff;
	v29 =	vor.u32 v10, v48  }
0x11b: {  	v19 =	vadd.s32 v15, v19;
	v50 =	vadd.s32 v13, v30;
	v49 =	vadd.s32 v13, v33;
	[tilespmem:s13+$0xA1] =	vst v37  }
0x11c: {  	v52 =	vor.u32 v28, v50;
	v51 =	vor.u32 v34, v49;
	[tilespmem:s13+$0xFFFFFFBF] =	vst v44;
	v31 =	vld.idx.msk [tilespmem:v31+s16+$0x0], $0xffff  }
0x11d: {  	v36 =	vor.u32 v12, v51;
	[tilespmem:s13+$0x30] =	vst v21;
	v21 =	vadd.s32 v13, v27;
	v53 =	vld.idx.msk [tilespmem:v38+s16+$0x0], $0xffff  }
0x11e: {  	v18 =	vor.u32 v12, v52;
	v24 =	vld.idx.msk [tilespmem:v24+s16+$0x0], $0xffff;
	v21 =	vor.u32 v25, v21;
	[tilespmem:s13+$0xFFFFFF4E] =	vst v26  }
0x11f: {  	[tilespmem:s7+$0xD1] =	vst v20;
	v55 =	vor.u32 v23, v54;
	v21 =	vor.u32 v12, v21;
	v20 =	vld.idx.msk [tilespmem:v29+s16+$0x0], $0xffff  }
0x120: {  	v16 =	vor.u32 v14, v16;
	v32 =	vld.idx.msk [tilespmem:v32+s16+$0x0], $0xffff;
	[tilespmem:s7+$0x50] =	vst v56;
	v26 =	vor.u32 v12, v55  }
0x121: {  	v61 =	vadd.s32 v15, v27;
	v57 =	vadd.s32 v15, v33;
	v22 =	vld.idx.msk [tilespmem:v22+s16+$0x0], $0xffff;
	[tilespmem:s13+$0xB1] =	vst v31  }
0x122: {  	v58 =	vadd.s32 v15, v30;
	[tilespmem:s13+$0xFFFFFFCF] =	vst v53;
	v31 =	vor.u32 v34, v57;
	v56 =	vld.idx.msk [tilespmem:v36+s16+$0x0], $0xffff  }
0x123: {  	v59 =	vor.u32 v28, v58;
	[tilespmem:s13+$0x40] =	vst v24;
	v18 =	vld.idx.msk [tilespmem:v18+s16+$0x0], $0xffff;
	v60 =	vor.u32 v14, v31  }
0x124: {  	v62 =	vor.u32 v25, v61;
	v21 =	vld.idx.msk [tilespmem:v21+s16+$0x0], $0xffff;
	[tilespmem:s13+$0xFFFFFF5E] =	vst v20;
	v20 =	vor.u32 v14, v59  }
0x125: {  	v19 =	vor.u32 v23, v19;
	[tilespmem:s7+$0xFFFFFF6E] =	vst v32;
	v23 =	vor.u32 v14, v62;
	v26 =	vld.idx.msk [tilespmem:v26+s16+$0x0], $0xffff  }
0x126: {  	v19 =	vor.u32 v14, v19;
	v16 =	vld.idx.msk [tilespmem:v16+s16+$0x0], $0xffff;
	[tilespmem:s7+$0xFFFFFFEF] =	vst v22  }
0x127: {  	v17 =	vld.idx.msk [tilespmem:v17+s16+$0x0], $0xffff;
	[tilespmem:s13+$0xC1] =	vst v56  }
0x128: {  	[tilespmem:s13+$0xFFFFFFDF] =	vst v18;
	v18 =	vld.idx.msk [tilespmem:v60+s16+$0x0], $0xffff  }
0x129: {  	[tilespmem:s13+$0x50] =	vst v21;
	v20 =	vld.idx.msk [tilespmem:v20+s16+$0x0], $0xffff  }
0x12a: {  	v21 =	vld.idx.msk [tilespmem:v23+s16+$0x0], $0xffff;
	[tilespmem:s13+$0xFFFFFF6E] =	vst v26  }
0x12b: {  	[tilespmem:s7+$0x60] =	vst v16;
	v16 =	vld.idx.msk [tilespmem:v19+s16+$0x0], $0xffff  }
0x12c: {  	[tilespmem:s7+$0xFFFFFF7E] =	vst v17;
	s7 =	simm.s32 $0x1;
	v17 =	vadd.s32 s2, v1  }
0x12d: {  	s4 =	simm.s32 $0x2;
	[tilespmem:s13+$0xD1] =	vst v18;
	v18 =	vadd.s32 s7, v1  }
0x12e: {  	[tilespmem:s13+$0xFFFFFFEF] =	vst v20;
	v20 =	vadd.s32 s4, v1  }
0x12f: {  	v63 =	vadd.s32 s1, v1;
	[tilespmem:s13+$0x60] =	vst v21  }
0x130: {  	s6 =	simm.s32 $0x7;
	[tilespmem:s13+$0xFFFFFF7E] =	vst v16  }
0x131: {  	v23 =	vadd.s32 s6, v1;
	s7 =	simm.s32 $0x5;
	v17 =	vld.idx.msk [tilespmem:v17+s19+$0x0], $0xffff  }
0x132: {  	s13 =	simm.s32 $0x6;
	v22 =	vadd.s32 s7, v1;
	v19 =	vld.idx.msk [tilespmem:v18+s19+$0x0], $0xffff  }
0x133: {  	v21 =	vadd.s32 s13, v1;
	v18 =	vld.idx.msk [tilespmem:v20+s19+$0x0], $0xffff  }
0x134: {  	s1 =	simm.s32 $0x8;
	v16 =	vld.idx.msk [tilespmem:v63+s19+$0x0], $0xffff;
	v20 =	vadd.s32 s5, v1  }
.LBB2_9:
0x135: {  	s2 =	sadd.s32 $0x3, s1  }
0x136: {  	p2 =	slt.u32 s1, $0x60;
	[tilespmem:s0+$0x200] =	vst v17;
	v17 =	vld.idx.msk [tilespmem:v23+s19+$0x0], $0xffff;
	s4 =	smov.u32 s1;
	s1 =	sadd.s32 $0x4, s1  }
.Ltmp3:
0x137: {  	s5 =	sadd.s32 $0x1, s4;
	v23 =	vadd.s32 s2, v1;
	[tilespmem:s0+$0xFFFFFE00] =	vst v19;
	v19 =	vld.idx.msk [tilespmem:v22+s19+$0x0], $0xffff;
	(pc) =	sbr.rel @p2 .LBB2_9-.Ltmp3, $4  }
0x138: {  	s2 =	sadd.s32 $0x2, s4;
	v22 =	vadd.s32 s5, v1;
	[tilespmem:s0+$0x0] =	vst v18;
	v18 =	vld.idx.msk [tilespmem:v21+s19+$0x0], $0xffff  }
0x139: {  	v21 =	vadd.s32 s2, v1;
	[tilespmem:s0+$0xFFFFFC00] =	vst v16;
	v16 =	vld.idx.msk [tilespmem:v20+s19+$0x0], $0xffff  }
0x13a: {  	v20 =	vadd.s32 s4, v1  }
0x13b: {  	s0 =	sadd.s32 $0x800, s0  }
0x13c: {  	_ =	sdelay $0x3  }
0x13d: {  	s1 =	simm.s32 $0x0;
	v25 =	vld.idx.msk [tilespmem:v23+s19+$0x0], $0xffff;
	s5 =	simm.s32 $0x2  }
0x13e: {  	s2 =	simm.s32 $0x1;
	[tilespmem:s0+$0xFFFFFE00] =	vst v19;
	v19 =	vld.idx.msk [tilespmem:v21+s19+$0x0], $0xffff;
	v24 =	vmov s1;
	v21 =	vmov s5  }
0x13f: {  	v26 =	vld.idx.msk [tilespmem:v22+s19+$0x0], $0xffff;
	v23 =	vshll.u32 v24, $0x7;
	v22 =	vshll.u32 v24, $0xA;
	v24 =	vmov s2  }
0x140: {  	[tilespmem:s0+$0x0] =	vst v18;
	s2 =	simm.s32 $0x3;
	v18 =	vshll.u32 v21, $0x7;
	v21 =	vshll.u32 v21, $0xA;
	v27 =	vand.u32 $0x2000, v22  }
0x141: {  	[tilespmem:s0+$0x200] =	vst v17;
	v28 =	vld.idx.msk [tilespmem:v20+s19+$0x0], $0xffff;
	v22 =	vshll.u32 v24, $0x7;
	v20 =	vshll.u32 v24, $0xA;
	v24 =	vmov s2  }
0x142: {  	s6 =	sadd.s32 $0x800, s0;
	[tilespmem:s0+$0xFFFFFC00] =	vst v16;
	v17 =	vand.u32 $0x200, v23;
	v23 =	vand.u32 $0x280, v22;
	v22 =	vshll.u32 v24, $0xA  }
0x143: {  	v16 =	vand.u32 $0x300, v18;
	v18 =	vshll.u32 v24, $0x7;
	[tilespmem:s6+$0x200] =	vst v25;
	v22 =	vand.u32 $0x2000, v22  }
0x144: {  	v24 =	vand.u32 $0x2000, v20;
	[tilespmem:s6+$0xFFFFFE00] =	vst v26;
	v20 =	vand.u32 $0x380, v18;
	v25 =	vadd.s32 v3, v22  }
0x145: {  	[tilespmem:s6+$0x0] =	vst v19;
	v18 =	vand.u32 $0x2000, v21;
	v19 =	vadd.s32 v3, v24;
	v21 =	vor.u32 v20, v25  }
0x146: {  	s4 =	simm.s32 @!p1 $0x0;
	s5 =	simm.s32 @!p1 $0x4080;
	s0 =	sadd.s32 @!p1 s30, s9;
	[tilespmem:s6+$0xFFFFFC00] =	vst v28;
	v19 =	vor.u32 v23, v19;
	v25 =	vadd.s32 v3, v18;
	v21 =	vor.u32 v2, v21  }
0x147: {  	v26 =	vadd.s32 v3, v27;
	[tilespmem:s5], [sflag:$0x2] =	stream.linear.gather @!p1 [hbm4b:s0+s4], $0x4000, $0x38;
	v19 =	vor.u32 v2, v19;
	v25 =	vor.u32 v16, v25;
	[tilespmem:$0x1D000] =	vst v63  }
0x148: {  	v26 =	vor.u32 v17, v26;
	_ =	swait.ge [sflag:s21], $0x4000;
	v25 =	vor.u32 v2, v25  }
0x149: {  	s7 =	simm.s32 $0x5;
	v26 =	vor.u32 v2, v26;
	[sflag:s21] =	ssyncset.done $0x0  }
0x14a: {  	v53 =	vmov s7;
	v31 =	vadd.s32 v5, v27;
	v28 =	vadd.s32 v5, v22;
	[sflag:s21] =	ssyncadd.s32 $0xFFFFC000  }
0x14b: {  	v32 =	vadd.s32 v7, v27;
	v29 =	vadd.s32 v5, v24;
	v28 =	vor.u32 v20, v28;
	v21 =	vld.idx.msk [tilespmem:v21+s17+$0x0], $0xffff  }
0x14c: {  	v29 =	vor.u32 v23, v29;
	v30 =	vadd.s32 v5, v18;
	v28 =	vor.u32 v4, v28;
	v19 =	vld.idx.msk [tilespmem:v19+s17+$0x0], $0xffff  }
0x14d: {  	v41 =	vadd.s32 v11, v27;
	v29 =	vor.u32 v4, v29;
	v30 =	vor.u32 v16, v30;
	v25 =	vld.idx.msk [tilespmem:v25+s17+$0x0], $0xffff  }
0x14e: {  	v31 =	vor.u32 v17, v31;
	v33 =	vadd.s32 v7, v24;
	v30 =	vor.u32 v4, v30;
	v26 =	vld.idx.msk [tilespmem:v26+s17+$0x0], $0xffff  }
0x14f: {  	v38 =	vadd.s32 v9, v24;
	v45 =	vadd.s32 v13, v24;
	s5 =	simm.s32 $0x10162;
	v31 =	vor.u32 v4, v31  }
0x150: {  	s13 =	simm.s32 $0x6;
	v58 =	vadd.s32 v11, v24;
	v62 =	vor.u32 v17, v41;
	v34 =	vadd.s32 v7, v22;
	[tilespmem:s5+$0x71] =	vst v21  }
0x151: {  	v36 =	vmov s13;
	v33 =	vor.u32 v23, v33;
	v34 =	vor.u32 v20, v34;
	[tilespmem:s5+$0xFFFFFF8F] =	vst v19;
	v28 =	vld.idx.msk [tilespmem:v28+s17+$0x0], $0xffff  }
0x152: {  	v40 =	vshll.u32 v36, $0x7;
	v34 =	vor.u32 v6, v34;
	v21 =	vadd.s32 v7, v18;
	v29 =	vld.idx.msk [tilespmem:v29+s17+$0x0], $0xffff;
	[tilespmem:s5+$0x0] =	vst v25  }
0x153: {  	v36 =	vshll.u32 v36, $0xA;
	v33 =	vor.u32 v6, v33;
	[tilespmem:s5+$0xFFFFFF1E] =	vst v26;
	v21 =	vor.u32 v16, v21;
	v30 =	vld.idx.msk [tilespmem:v30+s17+$0x0], $0xffff  }
0x154: {  	v39 =	vadd.s32 v9, v22;
	v26 =	vor.u32 v17, v32;
	v31 =	vld.idx.msk [tilespmem:v31+s17+$0x0], $0xffff;
	v54 =	vor.u32 v6, v21  }
0x155: {  	s0 =	simm.s32 $0x4;
	v55 =	vor.u32 v23, v38;
	v59 =	vadd.s32 v11, v18;
	v37 =	vor.u32 v6, v26  }
0x156: {  	v61 =	vor.u32 v23, v58;
	v35 =	vmov s0;
	v39 =	vor.u32 v20, v39;
	[tilespmem:s5+$0x81] =	vst v28  }
0x157: {  	v56 =	vor.u32 v8, v39;
	v19 =	vshll.u32 v35, $0x7;
	v25 =	vshll.u32 v35, $0xA;
	[tilespmem:s5+$0xFFFFFF9F] =	vst v29;
	v34 =	vld.idx.msk [tilespmem:v34+s17+$0x0], $0xffff  }
0x158: {  	v35 =	vor.u32 v8, v55;
	v21 =	vand.u32 $0x200, v19;
	v29 =	vadd.s32 v9, v18;
	v33 =	vld.idx.msk [tilespmem:v33+s17+$0x0], $0xffff;
	[tilespmem:s5+$0x10] =	vst v30  }
0x159: {  	v19 =	vand.u32 $0x2000, v25;
	v25 =	vadd.s32 v9, v27;
	[tilespmem:s5+$0xFFFFFF2E] =	vst v31;
	v29 =	vor.u32 v16, v29;
	v57 =	vld.idx.msk [tilespmem:v54+s17+$0x0], $0xffff  }
0x15a: {  	v32 =	vadd.s32 v13, v27;
	v25 =	vor.u32 v17, v25;
	v37 =	vld.idx.msk [tilespmem:v37+s17+$0x0], $0xffff;
	v43 =	vor.u32 v8, v29  }
0x15b: {  	v26 =	vadd.s32 v15, v27;
	v27 =	vadd.s32 v11, v22;
	v44 =	vor.u32 v8, v25  }
0x15c: {  	v41 =	vor.u32 v10, v61;
	v39 =	vor.u32 v10, v62;
	v60 =	vor.u32 v20, v27;
	[tilespmem:s5+$0x91] =	vst v34  }
0x15d: {  	v27 =	vand.u32 $0x2000, v36;
	v25 =	vand.u32 $0x300, v40;
	v42 =	vor.u32 v10, v60;
	[tilespmem:s5+$0xFFFFFFAF] =	vst v33;
	v34 =	vld.idx.msk [tilespmem:v56+s17+$0x0], $0xffff  }
0x15e: {  	v40 =	vor.u32 v23, v45;
	v31 =	vadd.s32 v5, v19;
	v30 =	vshll.u32 v53, $0xA;
	v35 =	vld.idx.msk [tilespmem:v35+s17+$0x0], $0xffff;
	[tilespmem:s5+$0x20] =	vst v57  }
0x15f: {  	v28 =	vshll.u32 v53, $0x7;
	v30 =	vand.u32 $0x2000, v30;
	[tilespmem:s5+$0xFFFFFF3E] =	vst v37;
	v33 =	vor.u32 v16, v59;
	v36 =	vld.idx.msk [tilespmem:v43+s17+$0x0], $0xffff  }
0x160: {  	v28 =	vand.u32 $0x280, v28;
	v63 =	vadd.s32 v3, v30;
	v38 =	vor.u32 v10, v33;
	v37 =	vld.idx.msk [tilespmem:v44+s17+$0x0], $0xffff  }
0x161: {  	s7 =	simm.s32 $0x8;
	s6 =	simm.s32 $0x10162;
	s4 =	simm.s32 $0x7;
	v29 =	vadd.s32 v7, v19;
	v44 =	vor.u32 v28, v63;
	v43 =	vadd.s32 v3, v27  }
.LBB2_11:
0x162: {  	p2 =	slt.u32 s7, $0xC;
	v33 =	vor.u32 v2, v44;
	v43 =	vor.u32 v25, v43;
	v44 =	vmov s4;
	[tilespmem:s5+$0xA1] =	vst v34  }
0x163: {  	v34 =	vor.u32 v2, v43;
	v43 =	vshll.u32 v44, $0xA;
	[tilespmem:s5+$0xFFFFFFBF] =	vst v35;
	v35 =	vld.idx.msk [tilespmem:v42+s17+$0x0], $0xffff;
	v42 =	vadd.s32 v13, v22  }
0x164: {  	v44 =	vshll.u32 v44, $0x7;
	v43 =	vand.u32 $0x2000, v43;
	v41 =	vld.idx.msk [tilespmem:v41+s17+$0x0], $0xffff;
	[tilespmem:s5+$0x30] =	vst v36;
	v36 =	vor.u32 v20, v42  }
0x165: {  	v44 =	vand.u32 $0x380, v44;
	v42 =	vadd.s32 v3, v43;
	[tilespmem:s5+$0xFFFFFF4E] =	vst v37;
	v37 =	vld.idx.msk [tilespmem:v38+s17+$0x0], $0xffff;
	v36 =	vor.u32 v12, v36  }
0x166: {  	v40 =	vor.u32 v12, v40;
	v38 =	vor.u32 v44, v42;
	v39 =	vld.idx.msk [tilespmem:v39+s17+$0x0], $0xffff;
	v42 =	vadd.s32 v13, v18  }
0x167: {  	v45 =	vadd.s32 v3, v19;
	v38 =	vor.u32 v2, v38;
	v42 =	vor.u32 v16, v42  }
0x168: {  	v32 =	vor.u32 v17, v32;
	v46 =	vadd.s32 v15, v24;
	v33 =	vld.idx.msk [tilespmem:v33+s17+$0x0], $0xffff;
	v42 =	vor.u32 v12, v42  }
0x169: {  	v24 =	vmov v30;
	v45 =	vor.u32 v21, v45;
	v32 =	vor.u32 v12, v32;
	v34 =	vld.idx.msk [tilespmem:v34+s17+$0x0], $0xffff;
	[tilespmem:s5+$0xB1] =	vst v35  }
0x16a: {  	v30 =	vor.u32 v2, v45;
	[tilespmem:s5+$0xFFFFFFCF] =	vst v41;
	v35 =	vld.idx.msk [tilespmem:v36+s17+$0x0], $0xffff;
	v36 =	vadd.s32 v15, v22;
	v22 =	vmov v43  }
0x16b: {  	v41 =	vor.u32 v23, v46;
	v40 =	vld.idx.msk [tilespmem:v40+s17+$0x0], $0xffff;
	[tilespmem:s5+$0x40] =	vst v37;
	v43 =	vor.u32 v20, v36;
	v20 =	vmov v44  }
0x16c: {  	v23 =	vmov v28;
	v37 =	vadd.s32 v5, v22;
	v36 =	vld.idx.msk [tilespmem:v38+s17+$0x0], $0xffff;
	[tilespmem:s5+$0xFFFFFF5E] =	vst v39;
	v38 =	vor.u32 v14, v43  }
0x16d: {  	v28 =	vadd.s32 v5, v24;
	v37 =	vor.u32 v20, v37;
	v39 =	vor.u32 v14, v41;
	v41 =	vld.idx.msk [tilespmem:v42+s17+$0x0], $0xffff  }
0x16e: {  	v28 =	vor.u32 v23, v28;
	v42 =	vadd.s32 v5, v27;
	v37 =	vor.u32 v4, v37;
	v32 =	vld.idx.msk [tilespmem:v32+s17+$0x0], $0xffff  }
0x16f: {  	v26 =	vor.u32 v17, v26;
	v28 =	vor.u32 v4, v28;
	v42 =	vor.u32 v25, v42;
	v30 =	vld.idx.msk [tilespmem:v30+s17+$0x0], $0xffff  }
0x170: {  	v18 =	vadd.s32 v15, v18;
	v43 =	vor.u32 v21, v31;
	v31 =	vor.u32 v4, v42;
	[tilespmem:s5+$0xC1] =	vst v35  }
0x171: {  	v17 =	vmov v21;
	v35 =	vor.u32 v4, v43;
	s5 =	sadd.s32 $0x1C4, s5;
	[tilespmem:s6+$0xFFFFFFDF] =	vst v40;
	v40 =	vor.u32 v16, v18;
	v38 =	vld.idx.msk [tilespmem:v38+s17+$0x0], $0xffff  }
0x172: {  	v21 =	vadd.s32 v7, v24;
	v16 =	vmov v25;
	[tilespmem:s5+$0x71] =	vst v36;
	v36 =	vld.idx.msk [tilespmem:v39+s17+$0x0], $0xffff;
	v39 =	vor.u32 v14, v40  }
0x173: {  	v25 =	vadd.s32 v7, v27;
	v18 =	vmov v27;
	[tilespmem:s5+$0xFFFFFF8F] =	vst v33;
	v33 =	vld.idx.msk [tilespmem:v37+s17+$0x0], $0xffff;
	v37 =	vadd.s32 v7, v22  }
0x174: {  	v27 =	vmov s7;
	v28 =	vld.idx.msk [tilespmem:v28+s17+$0x0], $0xffff;
	[tilespmem:s5+$0x0] =	vst v34;
	v34 =	vor.u32 v20, v37;
	v37 =	vor.u32 v14, v26  }
0x175: {  	v21 =	vor.u32 v23, v21;
	v26 =	vshll.u32 v27, $0x7;
	[tilespmem:s5+$0xFFFFFF1E] =	vst v30;
	v30 =	vld.idx.msk [tilespmem:v31+s17+$0x0], $0xffff;
	v31 =	vor.u32 v6, v34  }
0x176: {  	s4 =	sadd.s32 $0x1, s7;
	v27 =	vshll.u32 v27, $0xA;
	v34 =	vld.idx.msk [tilespmem:v35+s17+$0x0], $0xffff;
	v35 =	vor.u32 v6, v21;
	v21 =	vor.u32 v16, v25;
	[tilespmem:s6+$0x50] =	vst v41  }
0x177: {  	v29 =	vor.u32 v17, v29;
	v25 =	vmov s4;
	s4 =	sadd.s32 $0x2, s7;
	v40 =	vor.u32 v6, v21;
	v39 =	vld.idx.msk [tilespmem:v39+s17+$0x0], $0xffff;
	[tilespmem:s6+$0xD1] =	vst v38  }
0x178: {  	v29 =	vor.u32 v6, v29;
	v21 =	vand.u32 $0x200, v26;
	v38 =	vmov s4;
	[tilespmem:s6+$0xFFFFFF6E] =	vst v32  }
0x179: {  	v27 =	vand.u32 $0x2000, v27;
	v26 =	vadd.s32 v15, v19;
	v32 =	vadd.s32 v9, v19;
	[tilespmem:s5+$0x81] =	vst v33;
	v33 =	vld.idx.msk [tilespmem:v37+s17+$0x0], $0xffff  }
0x17a: {  	v37 =	vshll.u32 v25, $0x7;
	[tilespmem:s5+$0xFFFFFF9F] =	vst v28;
	v28 =	vadd.s32 v9, v24;
	v41 =	vld.idx.msk [tilespmem:v31+s17+$0x0], $0xffff;
	v31 =	vadd.s32 v9, v22  }
0x17b: {  	v42 =	vshll.u32 v38, $0x7;
	v35 =	vld.idx.msk [tilespmem:v35+s17+$0x0], $0xffff;
	[tilespmem:s5+$0x10] =	vst v30;
	v30 =	vadd.s32 v9, v18;
	v31 =	vor.u32 v20, v31  }
0x17c: {  	v43 =	vshll.u32 v25, $0xA;
	v25 =	vor.u32 v23, v28;
	[tilespmem:s5+$0xFFFFFF2E] =	vst v34;
	v40 =	vld.idx.msk [tilespmem:v40+s17+$0x0], $0xffff;
	v34 =	vor.u32 v8, v31  }
0x17d: {  	v38 =	vshll.u32 v38, $0xA;
	v45 =	vor.u32 v8, v25;
	v25 =	vor.u32 v16, v30;
	v44 =	vld.idx.msk [tilespmem:v29+s17+$0x0], $0xffff;
	[tilespmem:s6+$0xFFFFFFEF] =	vst v36  }
0x17e: {  	v28 =	vor.u32 v17, v32;
	v32 =	vadd.s32 v13, v19;
	v36 =	vor.u32 v8, v25;
	[tilespmem:s6+$0x60] =	vst v39  }
0x17f: {  	v46 =	vadd.s32 v11, v19;
	v29 =	vadd.s32 v7, v27;
	v39 =	vor.u32 v8, v28;
	[tilespmem:s6+$0xFFFFFF7E] =	vst v33;
	s6 =	smov.u32 s5  }
0x180: {  	v19 =	vmovc v27;
	v31 =	vadd.s32 v5, v27;
	v28 =	vand.u32 $0x280, v37;
	v33 =	vadd.s32 v13, v24;
	[tilespmem:s5+$0x91] =	vst v41  }
0x181: {  	v25 =	vand.u32 $0x300, v42;
	v27 =	vadd.s32 v11, v22;
	v37 =	vadd.s32 v11, v24;
	[tilespmem:s5+$0xFFFFFFAF] =	vst v35;
	v34 =	vld.idx.msk [tilespmem:v34+s17+$0x0], $0xffff  }
.Ltmp4:
0x182: {  	v30 =	vand.u32 $0x2000, v43;
	v41 =	vor.u32 v20, v27;
	v35 =	vld.idx.msk [tilespmem:v45+s17+$0x0], $0xffff;
	[tilespmem:s5+$0x20] =	vst v40;
	v40 =	vadd.s32 v11, v18;
	(pc) =	sbr.rel @p2 .LBB2_11-.Ltmp4, $4  }
0x183: {  	v27 =	vand.u32 $0x2000, v38;
	v38 =	vor.u32 v23, v37;
	v42 =	vor.u32 v10, v41;
	[tilespmem:s5+$0xFFFFFF3E] =	vst v44;
	v36 =	vld.idx.msk [tilespmem:v36+s17+$0x0], $0xffff  }
0x184: {  	v41 =	vor.u32 v10, v38;
	v38 =	vor.u32 v16, v40;
	v37 =	vld.idx.msk [tilespmem:v39+s17+$0x0], $0xffff;
	v39 =	vor.u32 v17, v46  }
0x185: {  	v43 =	vadd.s32 v3, v27;
	v40 =	vadd.s32 v3, v30;
	v38 =	vor.u32 v10, v38  }
0x186: {  	s4 =	sadd.s32 $0x3, s7;
	s7 =	sadd.s32 $0x4, s7;
	v44 =	vor.u32 v28, v40;
	v40 =	vor.u32 v23, v33;
	v39 =	vor.u32 v10, v39  }
0x187: {  	v45 =	vmov s4  }
0x188: {  	v43 =	vor.u32 v25, v43;
	v58 =	vadd.s32 v13, v22;
	v33 =	vshll.u32 v45, $0xA  }
0x189: {  	v44 =	vor.u32 v2, v44;
	v45 =	vshll.u32 v45, $0x7;
	v33 =	vand.u32 $0x2000, v33  }
0x18a: {  	[tilespmem:s5+$0xA1] =	vst v34;
	v61 =	vadd.s32 v3, v19;
	v34 =	vand.u32 $0x380, v45;
	v46 =	vadd.s32 v3, v33  }
0x18b: {  	v40 =	vor.u32 v12, v40;
	v62 =	vadd.s32 v13, v18;
	v57 =	vor.u32 v34, v46  }
0x18c: {  	v50 =	vadd.s32 v5, v30;
	v32 =	vor.u32 v17, v32;
	v56 =	vld.idx.msk [tilespmem:v42+s17+$0x0], $0xffff;
	v42 =	vor.u32 v2, v57  }
0x18d: {  	v51 =	vadd.s32 v5, v27;
	v24 =	vadd.s32 v15, v24;
	v31 =	vor.u32 v21, v31;
	[tilespmem:s5+$0x30] =	vst v36  }
0x18e: {  	v53 =	vadd.s32 v7, v30;
	v43 =	vor.u32 v2, v43;
	v60 =	vld.idx.msk [tilespmem:v38+s17+$0x0], $0xffff;
	v38 =	vor.u32 v21, v61  }
0x18f: {  	[tilespmem:s5+$0xFFFFFFBF] =	vst v35;
	v22 =	vadd.s32 v15, v22;
	v54 =	vadd.s32 v7, v27;
	v63 =	vor.u32 v2, v38  }
0x190: {  	v29 =	vor.u32 v21, v29;
	v17 =	vor.u32 v17, v26;
	v41 =	vld.idx.msk [tilespmem:v41+s17+$0x0], $0xffff;
	v48 =	vadd.s32 v5, v33  }
0x191: {  	v18 =	vadd.s32 v15, v18;
	v47 =	vadd.s32 v11, v19;
	v38 =	vor.u32 v34, v48;
	v49 =	vld.idx.msk [tilespmem:v42+s17+$0x0], $0xffff  }
0x192: {  	v59 =	vor.u32 v20, v58;
	v44 =	vld.idx.msk [tilespmem:v44+s17+$0x0], $0xffff;
	v38 =	vor.u32 v4, v38;
	v42 =	vor.u32 v28, v50  }
0x193: {  	[tilespmem:s5+$0xFFFFFF4E] =	vst v37;
	v37 =	vor.u32 v25, v51;
	v43 =	vld.idx.msk [tilespmem:v43+s17+$0x0], $0xffff;
	v42 =	vor.u32 v4, v42  }
0x194: {  	v32 =	vor.u32 v12, v32;
	v31 =	vor.u32 v4, v31;
	v37 =	vor.u32 v4, v37;
	v35 =	vld.idx.msk [tilespmem:v63+s17+$0x0], $0xffff  }
0x195: {  	s7 =	sadd.s32 $0x1C4, s5;
	v23 =	vor.u32 v23, v24;
	v20 =	vor.u32 v20, v22;
	v24 =	vor.u32 v25, v54;
	[tilespmem:s5+$0xFFFFFFCF] =	vst v41  }
0x196: {  	v29 =	vor.u32 v6, v29;
	v58 =	vadd.s32 v9, v30;
	v52 =	vadd.s32 v7, v33;
	[tilespmem:s7+$0x71] =	vst v49  }
0x197: {  	v36 =	vor.u32 v12, v59;
	v41 =	vor.u32 v34, v52;
	[tilespmem:s7+$0xFFFFFF8F] =	vst v44;
	v38 =	vld.idx.msk [tilespmem:v38+s17+$0x0], $0xffff  }
0x198: {  	v41 =	vor.u32 v6, v41;
	v44 =	vor.u32 v28, v53;
	[tilespmem:s7+$0x0] =	vst v43;
	v42 =	vld.idx.msk [tilespmem:v42+s17+$0x0], $0xffff  }
0x199: {  	v54 =	vadd.s32 v13, v19;
	v55 =	vor.u32 v6, v44;
	v22 =	vld.idx.msk [tilespmem:v37+s17+$0x0], $0xffff;
	[tilespmem:s7+$0xFFFFFF1E] =	vst v35  }
0x19a: {  	v17 =	vor.u32 v14, v17;
	v24 =	vor.u32 v6, v24;
	[tilespmem:s5+$0xB1] =	vst v56;
	v31 =	vld.idx.msk [tilespmem:v31+s17+$0x0], $0xffff  }
0x19b: {  	v45 =	vor.u32 v16, v62;
	v39 =	vld.idx.msk [tilespmem:v39+s17+$0x0], $0xffff;
	v57 =	vadd.s32 v9, v33;
	[tilespmem:s5+$0x40] =	vst v60  }
0x19c: {  	v61 =	vadd.s32 v9, v19;
	v36 =	vld.idx.msk [tilespmem:v36+s17+$0x0], $0xffff;
	v37 =	vor.u32 v34, v57;
	[tilespmem:s7+$0x81] =	vst v38  }
0x19d: {  	v45 =	vor.u32 v12, v45;
	v37 =	vor.u32 v8, v37;
	[tilespmem:s7+$0xFFFFFF9F] =	vst v42;
	v59 =	vld.idx.msk [tilespmem:v41+s17+$0x0], $0xffff  }
0x19e: {  	[tilespmem:s7+$0x10] =	vst v22;
	v22 =	vadd.s32 v9, v27;
	v38 =	vor.u32 v28, v58;
	v60 =	vld.idx.msk [tilespmem:v55+s17+$0x0], $0xffff  }
0x19f: {  	v24 =	vld.idx.msk [tilespmem:v24+s17+$0x0], $0xffff;
	v22 =	vor.u32 v25, v22;
	[tilespmem:s7+$0xFFFFFF2E] =	vst v31;
	v38 =	vor.u32 v8, v38  }
0x1a0: {  	v20 =	vor.u32 v14, v20;
	v62 =	vor.u32 v21, v61;
	v22 =	vor.u32 v8, v22;
	v29 =	vld.idx.msk [tilespmem:v29+s17+$0x0], $0xffff  }
0x1a1: {  	v23 =	vor.u32 v14, v23;
	v40 =	vld.idx.msk [tilespmem:v40+s17+$0x0], $0xffff;
	[tilespmem:s5+$0xFFFFFF5E] =	vst v39;
	v63 =	vor.u32 v8, v62  }
0x1a2: {  	v46 =	vadd.s32 v11, v27;
	v56 =	vld.idx.msk [tilespmem:v45+s17+$0x0], $0xffff;
	v42 =	vadd.s32 v11, v33;
	[tilespmem:s7+$0x91] =	vst v59  }
0x1a3: {  	v43 =	vadd.s32 v11, v30;
	v31 =	vor.u32 v34, v42;
	[tilespmem:s7+$0xFFFFFFAF] =	vst v60;
	v37 =	vld.idx.msk [tilespmem:v37+s17+$0x0], $0xffff  }
0x1a4: {  	v45 =	vor.u32 v28, v43;
	v31 =	vor.u32 v10, v31;
	[tilespmem:s7+$0x20] =	vst v24;
	v44 =	vld.idx.msk [tilespmem:v38+s17+$0x0], $0xffff  }
0x1a5: {  	v24 =	vor.u32 v25, v46;
	v22 =	vld.idx.msk [tilespmem:v22+s17+$0x0], $0xffff;
	[tilespmem:s7+$0xFFFFFF3E] =	vst v29;
	v38 =	vor.u32 v10, v45  }
0x1a6: {  	v48 =	vor.u32 v21, v47;
	[tilespmem:s5+$0xC1] =	vst v36;
	v24 =	vor.u32 v10, v24;
	v26 =	vld.idx.msk [tilespmem:v63+s17+$0x0], $0xffff  }
0x1a7: {  	v16 =	vor.u32 v16, v18;
	[tilespmem:s6+$0xFFFFFFDF] =	vst v40;
	v20 =	vld.idx.msk [tilespmem:v20+s17+$0x0], $0xffff;
	v29 =	vor.u32 v10, v48  }
0x1a8: {  	v19 =	vadd.s32 v15, v19;
	v50 =	vadd.s32 v13, v30;
	v49 =	vadd.s32 v13, v33;
	[tilespmem:s7+$0xA1] =	vst v37  }
0x1a9: {  	v52 =	vor.u32 v28, v50;
	v51 =	vor.u32 v34, v49;
	[tilespmem:s7+$0xFFFFFFBF] =	vst v44;
	v31 =	vld.idx.msk [tilespmem:v31+s17+$0x0], $0xffff  }
0x1aa: {  	v36 =	vor.u32 v12, v51;
	[tilespmem:s7+$0x30] =	vst v22;
	v22 =	vadd.s32 v13, v27;
	v53 =	vld.idx.msk [tilespmem:v38+s17+$0x0], $0xffff  }
0x1ab: {  	v18 =	vor.u32 v12, v52;
	v24 =	vld.idx.msk [tilespmem:v24+s17+$0x0], $0xffff;
	v22 =	vor.u32 v25, v22;
	[tilespmem:s7+$0xFFFFFF4E] =	vst v26  }
0x1ac: {  	[tilespmem:s6+$0xD1] =	vst v20;
	v55 =	vor.u32 v21, v54;
	v22 =	vor.u32 v12, v22;
	v20 =	vld.idx.msk [tilespmem:v29+s17+$0x0], $0xffff  }
0x1ad: {  	v16 =	vor.u32 v14, v16;
	v32 =	vld.idx.msk [tilespmem:v32+s17+$0x0], $0xffff;
	[tilespmem:s6+$0x50] =	vst v56;
	v26 =	vor.u32 v12, v55  }
0x1ae: {  	v61 =	vadd.s32 v15, v27;
	v57 =	vadd.s32 v15, v33;
	v23 =	vld.idx.msk [tilespmem:v23+s17+$0x0], $0xffff;
	[tilespmem:s7+$0xB1] =	vst v31  }
0x1af: {  	v58 =	vadd.s32 v15, v30;
	[tilespmem:s7+$0xFFFFFFCF] =	vst v53;
	v31 =	vor.u32 v34, v57;
	v56 =	vld.idx.msk [tilespmem:v36+s17+$0x0], $0xffff  }
0x1b0: {  	v59 =	vor.u32 v28, v58;
	[tilespmem:s7+$0x40] =	vst v24;
	v18 =	vld.idx.msk [tilespmem:v18+s17+$0x0], $0xffff;
	v60 =	vor.u32 v14, v31  }
0x1b1: {  	v62 =	vor.u32 v25, v61;
	v22 =	vld.idx.msk [tilespmem:v22+s17+$0x0], $0xffff;
	[tilespmem:s7+$0xFFFFFF5E] =	vst v20;
	v20 =	vor.u32 v14, v59  }
0x1b2: {  	v19 =	vor.u32 v21, v19;
	[tilespmem:s6+$0xFFFFFF6E] =	vst v32;
	v21 =	vor.u32 v14, v62;
	v26 =	vld.idx.msk [tilespmem:v26+s17+$0x0], $0xffff  }
0x1b3: {  	v19 =	vor.u32 v14, v19;
	v16 =	vld.idx.msk [tilespmem:v16+s17+$0x0], $0xffff;
	[tilespmem:s6+$0xFFFFFFEF] =	vst v23  }
0x1b4: {  	v17 =	vld.idx.msk [tilespmem:v17+s17+$0x0], $0xffff;
	[tilespmem:s7+$0xC1] =	vst v56  }
0x1b5: {  	[tilespmem:s7+$0xFFFFFFDF] =	vst v18;
	v18 =	vld.idx.msk [tilespmem:v60+s17+$0x0], $0xffff  }
0x1b6: {  	[tilespmem:s7+$0x50] =	vst v22;
	v20 =	vld.idx.msk [tilespmem:v20+s17+$0x0], $0xffff  }
0x1b7: {  	v21 =	vld.idx.msk [tilespmem:v21+s17+$0x0], $0xffff;
	[tilespmem:s7+$0xFFFFFF6E] =	vst v26  }
0x1b8: {  	[tilespmem:s6+$0x60] =	vst v16;
	v16 =	vld.idx.msk [tilespmem:v19+s17+$0x0], $0xffff  }
0x1b9: {  	s13 =	simm.s32 $0x1;
	[tilespmem:s6+$0xFFFFFF7E] =	vst v17;
	v17 =	vadd.s32 s2, v1  }
0x1ba: {  	s5 =	simm.s32 $0x2;
	[tilespmem:s7+$0xD1] =	vst v18;
	v18 =	vadd.s32 s13, v1  }
0x1bb: {  	[tilespmem:s7+$0xFFFFFFEF] =	vst v20;
	v20 =	vadd.s32 s5, v1  }
0x1bc: {  	v63 =	vadd.s32 s1, v1;
	[tilespmem:s7+$0x60] =	vst v21  }
0x1bd: {  	s6 =	simm.s32 $0x7;
	[tilespmem:s7+$0xFFFFFF7E] =	vst v16  }
0x1be: {  	v23 =	vadd.s32 s6, v1;
	s7 =	simm.s32 $0x5;
	v17 =	vld.idx.msk [tilespmem:v17+s19+$0x0], $0xffff  }
0x1bf: {  	s13 =	simm.s32 $0x6;
	v22 =	vadd.s32 s7, v1;
	v19 =	vld.idx.msk [tilespmem:v18+s19+$0x0], $0xffff  }
0x1c0: {  	v21 =	vadd.s32 s13, v1;
	v18 =	vld.idx.msk [tilespmem:v20+s19+$0x0], $0xffff  }
0x1c1: {  	s1 =	simm.s32 $0x8;
	v16 =	vld.idx.msk [tilespmem:v63+s19+$0x0], $0xffff;
	v20 =	vadd.s32 s0, v1  }
.LBB2_13:
0x1c2: {  	s0 =	sadd.s32 $0x3, s1  }
0x1c3: {  	p2 =	slt.u32 s1, $0x60;
	[tilespmem:s31+$0x200] =	vst v17;
	v17 =	vld.idx.msk [tilespmem:v23+s19+$0x0], $0xffff;
	s2 =	smov.u32 s1;
	s1 =	sadd.s32 $0x4, s1  }
.Ltmp5:
0x1c4: {  	s4 =	sadd.s32 $0x1, s2;
	v23 =	vadd.s32 s0, v1;
	[tilespmem:s31+$0xFFFFFE00] =	vst v19;
	v19 =	vld.idx.msk [tilespmem:v22+s19+$0x0], $0xffff;
	(pc) =	sbr.rel @p2 .LBB2_13-.Ltmp5, $4  }
0x1c5: {  	s0 =	sadd.s32 $0x2, s2;
	v22 =	vadd.s32 s4, v1;
	[tilespmem:s31+$0x0] =	vst v18;
	v18 =	vld.idx.msk [tilespmem:v21+s19+$0x0], $0xffff  }
0x1c6: {  	v21 =	vadd.s32 s0, v1;
	[tilespmem:s31+$0xFFFFFC00] =	vst v16;
	v16 =	vld.idx.msk [tilespmem:v20+s19+$0x0], $0xffff  }
0x1c7: {  	v20 =	vadd.s32 s2, v1  }
0x1c8: {  	s31 =	sadd.s32 $0x800, s31  }
0x1c9: {  	_ =	sdelay $0x3  }
0x1ca: {  	s0 =	simm.s32 $0x0;
	v25 =	vld.idx.msk [tilespmem:v23+s19+$0x0], $0xffff;
	s7 =	simm.s32 $0x2  }
0x1cb: {  	s1 =	simm.s32 $0x1;
	[tilespmem:s31+$0xFFFFFE00] =	vst v19;
	v19 =	vld.idx.msk [tilespmem:v21+s19+$0x0], $0xffff;
	v24 =	vmov s0;
	v21 =	vmov s7  }
0x1cc: {  	v26 =	vld.idx.msk [tilespmem:v22+s19+$0x0], $0xffff;
	v23 =	vshll.u32 v24, $0x7;
	v22 =	vshll.u32 v24, $0xA;
	v24 =	vmov s1  }
0x1cd: {  	[tilespmem:s31+$0x0] =	vst v18;
	s1 =	simm.s32 $0x3;
	v18 =	vshll.u32 v21, $0x7;
	v21 =	vshll.u32 v21, $0xA;
	v27 =	vand.u32 $0x2000, v22  }
0x1ce: {  	[tilespmem:s31+$0x200] =	vst v17;
	v28 =	vld.idx.msk [tilespmem:v20+s19+$0x0], $0xffff;
	v22 =	vshll.u32 v24, $0x7;
	v20 =	vshll.u32 v24, $0xA;
	v24 =	vmov s1  }
0x1cf: {  	s2 =	sadd.s32 $0x800, s31;
	[tilespmem:s31+$0xFFFFFC00] =	vst v16;
	v17 =	vand.u32 $0x200, v23;
	v23 =	vand.u32 $0x280, v22;
	v22 =	vshll.u32 v24, $0xA  }
0x1d0: {  	v16 =	vand.u32 $0x300, v18;
	v18 =	vshll.u32 v24, $0x7;
	[tilespmem:s2+$0x200] =	vst v25;
	v22 =	vand.u32 $0x2000, v22  }
0x1d1: {  	v24 =	vand.u32 $0x2000, v20;
	[tilespmem:s2+$0xFFFFFE00] =	vst v26;
	v20 =	vand.u32 $0x380, v18;
	v25 =	vadd.s32 v3, v22  }
0x1d2: {  	[tilespmem:s2+$0x0] =	vst v19;
	v18 =	vand.u32 $0x2000, v21;
	v19 =	vadd.s32 v3, v24;
	v21 =	vor.u32 v20, v25  }
0x1d3: {  	s4 =	simm.s32 @!p1 $0x0;
	s5 =	simm.s32 @!p1 $0x8080;
	[tilespmem:s2+$0xFFFFFC00] =	vst v28;
	s2 =	sadd.s32 @!p1 s30, s10;
	v19 =	vor.u32 v23, v19;
	v25 =	vadd.s32 v3, v18;
	v21 =	vor.u32 v2, v21  }
0x1d4: {  	v26 =	vadd.s32 v3, v27;
	[tilespmem:s5], [sflag:$0x3] =	stream.linear.gather @!p1 [hbm4b:s2+s4], $0x4000, $0x38;
	v19 =	vor.u32 v2, v19;
	v25 =	vor.u32 v16, v25;
	[tilespmem:$0x1D000] =	vst v63  }
0x1d5: {  	v26 =	vor.u32 v17, v26;
	_ =	swait.ge [sflag:s22], $0x4000;
	v25 =	vor.u32 v2, v25  }
0x1d6: {  	s13 =	simm.s32 $0x5;
	v26 =	vor.u32 v2, v26;
	[sflag:s22] =	ssyncset.done $0x0  }
0x1d7: {  	v53 =	vmov s13;
	v31 =	vadd.s32 v5, v27;
	v28 =	vadd.s32 v5, v22;
	[sflag:s22] =	ssyncadd.s32 $0xFFFFC000  }
0x1d8: {  	v32 =	vadd.s32 v7, v27;
	v29 =	vadd.s32 v5, v24;
	v28 =	vor.u32 v20, v28;
	v21 =	vld.idx.msk [tilespmem:v21+s18+$0x0], $0xffff  }
0x1d9: {  	v29 =	vor.u32 v23, v29;
	v30 =	vadd.s32 v5, v18;
	v28 =	vor.u32 v4, v28;
	v19 =	vld.idx.msk [tilespmem:v19+s18+$0x0], $0xffff  }
0x1da: {  	v41 =	vadd.s32 v11, v27;
	v29 =	vor.u32 v4, v29;
	v30 =	vor.u32 v16, v30;
	v25 =	vld.idx.msk [tilespmem:v25+s18+$0x0], $0xffff  }
0x1db: {  	v31 =	vor.u32 v17, v31;
	v33 =	vadd.s32 v7, v24;
	v30 =	vor.u32 v4, v30;
	v26 =	vld.idx.msk [tilespmem:v26+s18+$0x0], $0xffff  }
0x1dc: {  	v38 =	vadd.s32 v9, v24;
	v45 =	vadd.s32 v13, v24;
	s5 =	simm.s32 $0x10162;
	v31 =	vor.u32 v4, v31  }
0x1dd: {  	s31 =	simm.s32 $0x6;
	v58 =	vadd.s32 v11, v24;
	v62 =	vor.u32 v17, v41;
	v34 =	vadd.s32 v7, v22;
	[tilespmem:s5+$0x71] =	vst v21  }
0x1de: {  	v36 =	vmov s31;
	v33 =	vor.u32 v23, v33;
	v34 =	vor.u32 v20, v34;
	[tilespmem:s5+$0xFFFFFF8F] =	vst v19;
	v28 =	vld.idx.msk [tilespmem:v28+s18+$0x0], $0xffff  }
0x1df: {  	v40 =	vshll.u32 v36, $0x7;
	v34 =	vor.u32 v6, v34;
	v21 =	vadd.s32 v7, v18;
	v29 =	vld.idx.msk [tilespmem:v29+s18+$0x0], $0xffff;
	[tilespmem:s5+$0x0] =	vst v25  }
0x1e0: {  	v36 =	vshll.u32 v36, $0xA;
	v33 =	vor.u32 v6, v33;
	[tilespmem:s5+$0xFFFFFF1E] =	vst v26;
	v21 =	vor.u32 v16, v21;
	v30 =	vld.idx.msk [tilespmem:v30+s18+$0x0], $0xffff  }
0x1e1: {  	v39 =	vadd.s32 v9, v22;
	v26 =	vor.u32 v17, v32;
	v31 =	vld.idx.msk [tilespmem:v31+s18+$0x0], $0xffff;
	v54 =	vor.u32 v6, v21  }
0x1e2: {  	s2 =	simm.s32 $0x4;
	v55 =	vor.u32 v23, v38;
	v59 =	vadd.s32 v11, v18;
	v37 =	vor.u32 v6, v26  }
0x1e3: {  	v61 =	vor.u32 v23, v58;
	v35 =	vmov s2;
	v39 =	vor.u32 v20, v39;
	[tilespmem:s5+$0x81] =	vst v28  }
0x1e4: {  	v56 =	vor.u32 v8, v39;
	v19 =	vshll.u32 v35, $0x7;
	v25 =	vshll.u32 v35, $0xA;
	[tilespmem:s5+$0xFFFFFF9F] =	vst v29;
	v34 =	vld.idx.msk [tilespmem:v34+s18+$0x0], $0xffff  }
0x1e5: {  	v35 =	vor.u32 v8, v55;
	v21 =	vand.u32 $0x200, v19;
	v29 =	vadd.s32 v9, v18;
	v33 =	vld.idx.msk [tilespmem:v33+s18+$0x0], $0xffff;
	[tilespmem:s5+$0x10] =	vst v30  }
0x1e6: {  	v19 =	vand.u32 $0x2000, v25;
	v25 =	vadd.s32 v9, v27;
	[tilespmem:s5+$0xFFFFFF2E] =	vst v31;
	v29 =	vor.u32 v16, v29;
	v57 =	vld.idx.msk [tilespmem:v54+s18+$0x0], $0xffff  }
0x1e7: {  	v32 =	vadd.s32 v13, v27;
	v25 =	vor.u32 v17, v25;
	v37 =	vld.idx.msk [tilespmem:v37+s18+$0x0], $0xffff;
	v43 =	vor.u32 v8, v29  }
0x1e8: {  	v26 =	vadd.s32 v15, v27;
	v27 =	vadd.s32 v11, v22;
	v44 =	vor.u32 v8, v25  }
0x1e9: {  	v41 =	vor.u32 v10, v61;
	v39 =	vor.u32 v10, v62;
	v60 =	vor.u32 v20, v27;
	[tilespmem:s5+$0x91] =	vst v34  }
0x1ea: {  	v27 =	vand.u32 $0x2000, v36;
	v25 =	vand.u32 $0x300, v40;
	v42 =	vor.u32 v10, v60;
	[tilespmem:s5+$0xFFFFFFAF] =	vst v33;
	v34 =	vld.idx.msk [tilespmem:v56+s18+$0x0], $0xffff  }
0x1eb: {  	v40 =	vor.u32 v23, v45;
	v31 =	vadd.s32 v5, v19;
	v30 =	vshll.u32 v53, $0xA;
	v35 =	vld.idx.msk [tilespmem:v35+s18+$0x0], $0xffff;
	[tilespmem:s5+$0x20] =	vst v57  }
0x1ec: {  	v28 =	vshll.u32 v53, $0x7;
	v30 =	vand.u32 $0x2000, v30;
	[tilespmem:s5+$0xFFFFFF3E] =	vst v37;
	v33 =	vor.u32 v16, v59;
	v36 =	vld.idx.msk [tilespmem:v43+s18+$0x0], $0xffff  }
0x1ed: {  	v28 =	vand.u32 $0x280, v28;
	v63 =	vadd.s32 v3, v30;
	v38 =	vor.u32 v10, v33;
	v37 =	vld.idx.msk [tilespmem:v44+s18+$0x0], $0xffff  }
0x1ee: {  	s6 =	simm.s32 $0x10162;
	s7 =	simm.s32 $0x8;
	s4 =	simm.s32 $0x7;
	v29 =	vadd.s32 v7, v19;
	v44 =	vor.u32 v28, v63;
	v43 =	vadd.s32 v3, v27  }
.LBB2_15:
0x1ef: {  	p2 =	slt.u32 s7, $0xC;
	v33 =	vor.u32 v2, v44;
	v43 =	vor.u32 v25, v43;
	v44 =	vmov s4;
	[tilespmem:s5+$0xA1] =	vst v34  }
0x1f0: {  	v34 =	vor.u32 v2, v43;
	v43 =	vshll.u32 v44, $0xA;
	[tilespmem:s5+$0xFFFFFFBF] =	vst v35;
	v35 =	vld.idx.msk [tilespmem:v42+s18+$0x0], $0xffff;
	v42 =	vadd.s32 v13, v22  }
0x1f1: {  	v44 =	vshll.u32 v44, $0x7;
	v43 =	vand.u32 $0x2000, v43;
	v41 =	vld.idx.msk [tilespmem:v41+s18+$0x0], $0xffff;
	[tilespmem:s5+$0x30] =	vst v36;
	v36 =	vor.u32 v20, v42  }
0x1f2: {  	v44 =	vand.u32 $0x380, v44;
	v42 =	vadd.s32 v3, v43;
	[tilespmem:s5+$0xFFFFFF4E] =	vst v37;
	v37 =	vld.idx.msk [tilespmem:v38+s18+$0x0], $0xffff;
	v36 =	vor.u32 v12, v36  }
0x1f3: {  	v40 =	vor.u32 v12, v40;
	v38 =	vor.u32 v44, v42;
	v39 =	vld.idx.msk [tilespmem:v39+s18+$0x0], $0xffff;
	v42 =	vadd.s32 v13, v18  }
0x1f4: {  	v45 =	vadd.s32 v3, v19;
	v38 =	vor.u32 v2, v38;
	v42 =	vor.u32 v16, v42  }
0x1f5: {  	v32 =	vor.u32 v17, v32;
	v46 =	vadd.s32 v15, v24;
	v33 =	vld.idx.msk [tilespmem:v33+s18+$0x0], $0xffff;
	v42 =	vor.u32 v12, v42  }
0x1f6: {  	v24 =	vmov v30;
	v45 =	vor.u32 v21, v45;
	v32 =	vor.u32 v12, v32;
	v34 =	vld.idx.msk [tilespmem:v34+s18+$0x0], $0xffff;
	[tilespmem:s5+$0xB1] =	vst v35  }
0x1f7: {  	v30 =	vor.u32 v2, v45;
	[tilespmem:s5+$0xFFFFFFCF] =	vst v41;
	v35 =	vld.idx.msk [tilespmem:v36+s18+$0x0], $0xffff;
	v36 =	vadd.s32 v15, v22;
	v22 =	vmov v43  }
0x1f8: {  	v41 =	vor.u32 v23, v46;
	v40 =	vld.idx.msk [tilespmem:v40+s18+$0x0], $0xffff;
	[tilespmem:s5+$0x40] =	vst v37;
	v43 =	vor.u32 v20, v36;
	v20 =	vmov v44  }
0x1f9: {  	v23 =	vmov v28;
	v37 =	vadd.s32 v5, v22;
	v36 =	vld.idx.msk [tilespmem:v38+s18+$0x0], $0xffff;
	[tilespmem:s5+$0xFFFFFF5E] =	vst v39;
	v38 =	vor.u32 v14, v43  }
0x1fa: {  	v28 =	vadd.s32 v5, v24;
	v37 =	vor.u32 v20, v37;
	v39 =	vor.u32 v14, v41;
	v41 =	vld.idx.msk [tilespmem:v42+s18+$0x0], $0xffff  }
0x1fb: {  	v28 =	vor.u32 v23, v28;
	v42 =	vadd.s32 v5, v27;
	v37 =	vor.u32 v4, v37;
	v32 =	vld.idx.msk [tilespmem:v32+s18+$0x0], $0xffff  }
0x1fc: {  	v26 =	vor.u32 v17, v26;
	v28 =	vor.u32 v4, v28;
	v42 =	vor.u32 v25, v42;
	v30 =	vld.idx.msk [tilespmem:v30+s18+$0x0], $0xffff  }
0x1fd: {  	v18 =	vadd.s32 v15, v18;
	v43 =	vor.u32 v21, v31;
	v31 =	vor.u32 v4, v42;
	[tilespmem:s5+$0xC1] =	vst v35  }
0x1fe: {  	v17 =	vmov v21;
	v35 =	vor.u32 v4, v43;
	s5 =	sadd.s32 $0x1C4, s5;
	[tilespmem:s6+$0xFFFFFFDF] =	vst v40;
	v40 =	vor.u32 v16, v18;
	v38 =	vld.idx.msk [tilespmem:v38+s18+$0x0], $0xffff  }
0x1ff: {  	v21 =	vadd.s32 v7, v24;
	v16 =	vmov v25;
	[tilespmem:s5+$0x71] =	vst v36;
	v36 =	vld.idx.msk [tilespmem:v39+s18+$0x0], $0xffff;
	v39 =	vor.u32 v14, v40  }
0x200: {  	v25 =	vadd.s32 v7, v27;
	v18 =	vmov v27;
	[tilespmem:s5+$0xFFFFFF8F] =	vst v33;
	v33 =	vld.idx.msk [tilespmem:v37+s18+$0x0], $0xffff;
	v37 =	vadd.s32 v7, v22  }
0x201: {  	v27 =	vmov s7;
	v28 =	vld.idx.msk [tilespmem:v28+s18+$0x0], $0xffff;
	[tilespmem:s5+$0x0] =	vst v34;
	v34 =	vor.u32 v20, v37;
	v37 =	vor.u32 v14, v26  }
0x202: {  	v21 =	vor.u32 v23, v21;
	v26 =	vshll.u32 v27, $0x7;
	[tilespmem:s5+$0xFFFFFF1E] =	vst v30;
	v30 =	vld.idx.msk [tilespmem:v31+s18+$0x0], $0xffff;
	v31 =	vor.u32 v6, v34  }
0x203: {  	s4 =	sadd.s32 $0x1, s7;
	v27 =	vshll.u32 v27, $0xA;
	v34 =	vld.idx.msk [tilespmem:v35+s18+$0x0], $0xffff;
	v35 =	vor.u32 v6, v21;
	v21 =	vor.u32 v16, v25;
	[tilespmem:s6+$0x50] =	vst v41  }
0x204: {  	v29 =	vor.u32 v17, v29;
	v25 =	vmov s4;
	s4 =	sadd.s32 $0x2, s7;
	v40 =	vor.u32 v6, v21;
	v39 =	vld.idx.msk [tilespmem:v39+s18+$0x0], $0xffff;
	[tilespmem:s6+$0xD1] =	vst v38  }
0x205: {  	v29 =	vor.u32 v6, v29;
	v21 =	vand.u32 $0x200, v26;
	v38 =	vmov s4;
	[tilespmem:s6+$0xFFFFFF6E] =	vst v32  }
0x206: {  	v27 =	vand.u32 $0x2000, v27;
	v26 =	vadd.s32 v15, v19;
	v32 =	vadd.s32 v9, v19;
	[tilespmem:s5+$0x81] =	vst v33;
	v33 =	vld.idx.msk [tilespmem:v37+s18+$0x0], $0xffff  }
0x207: {  	v37 =	vshll.u32 v25, $0x7;
	[tilespmem:s5+$0xFFFFFF9F] =	vst v28;
	v28 =	vadd.s32 v9, v24;
	v41 =	vld.idx.msk [tilespmem:v31+s18+$0x0], $0xffff;
	v31 =	vadd.s32 v9, v22  }
0x208: {  	v42 =	vshll.u32 v38, $0x7;
	v35 =	vld.idx.msk [tilespmem:v35+s18+$0x0], $0xffff;
	[tilespmem:s5+$0x10] =	vst v30;
	v30 =	vadd.s32 v9, v18;
	v31 =	vor.u32 v20, v31  }
0x209: {  	v43 =	vshll.u32 v25, $0xA;
	v25 =	vor.u32 v23, v28;
	[tilespmem:s5+$0xFFFFFF2E] =	vst v34;
	v40 =	vld.idx.msk [tilespmem:v40+s18+$0x0], $0xffff;
	v34 =	vor.u32 v8, v31  }
0x20a: {  	v38 =	vshll.u32 v38, $0xA;
	v45 =	vor.u32 v8, v25;
	v25 =	vor.u32 v16, v30;
	v44 =	vld.idx.msk [tilespmem:v29+s18+$0x0], $0xffff;
	[tilespmem:s6+$0xFFFFFFEF] =	vst v36  }
0x20b: {  	v28 =	vor.u32 v17, v32;
	v32 =	vadd.s32 v13, v19;
	v36 =	vor.u32 v8, v25;
	[tilespmem:s6+$0x60] =	vst v39  }
0x20c: {  	v46 =	vadd.s32 v11, v19;
	v29 =	vadd.s32 v7, v27;
	v39 =	vor.u32 v8, v28;
	[tilespmem:s6+$0xFFFFFF7E] =	vst v33;
	s6 =	smov.u32 s5  }
0x20d: {  	v19 =	vmovc v27;
	v31 =	vadd.s32 v5, v27;
	v28 =	vand.u32 $0x280, v37;
	v33 =	vadd.s32 v13, v24;
	[tilespmem:s5+$0x91] =	vst v41  }
0x20e: {  	v25 =	vand.u32 $0x300, v42;
	v27 =	vadd.s32 v11, v22;
	v37 =	vadd.s32 v11, v24;
	[tilespmem:s5+$0xFFFFFFAF] =	vst v35;
	v34 =	vld.idx.msk [tilespmem:v34+s18+$0x0], $0xffff  }
.Ltmp6:
0x20f: {  	v30 =	vand.u32 $0x2000, v43;
	v41 =	vor.u32 v20, v27;
	v35 =	vld.idx.msk [tilespmem:v45+s18+$0x0], $0xffff;
	[tilespmem:s5+$0x20] =	vst v40;
	v40 =	vadd.s32 v11, v18;
	(pc) =	sbr.rel @p2 .LBB2_15-.Ltmp6, $4  }
0x210: {  	v27 =	vand.u32 $0x2000, v38;
	v38 =	vor.u32 v23, v37;
	v42 =	vor.u32 v10, v41;
	[tilespmem:s5+$0xFFFFFF3E] =	vst v44;
	v36 =	vld.idx.msk [tilespmem:v36+s18+$0x0], $0xffff  }
0x211: {  	v41 =	vor.u32 v10, v38;
	v38 =	vor.u32 v16, v40;
	v37 =	vld.idx.msk [tilespmem:v39+s18+$0x0], $0xffff;
	v39 =	vor.u32 v17, v46  }
0x212: {  	v43 =	vadd.s32 v3, v27;
	v40 =	vadd.s32 v3, v30;
	v38 =	vor.u32 v10, v38  }
0x213: {  	s4 =	sadd.s32 $0x3, s7;
	s7 =	sadd.s32 $0x4, s7;
	v44 =	vor.u32 v28, v40;
	v40 =	vor.u32 v23, v33;
	v39 =	vor.u32 v10, v39  }
0x214: {  	v45 =	vmov s4  }
0x215: {  	v43 =	vor.u32 v25, v43;
	v59 =	vadd.s32 v13, v22;
	v33 =	vshll.u32 v45, $0xA  }
0x216: {  	v44 =	vor.u32 v2, v44;
	v45 =	vshll.u32 v45, $0x7;
	v33 =	vand.u32 $0x2000, v33  }
0x217: {  	[tilespmem:s5+$0xA1] =	vst v34;
	v62 =	vadd.s32 v3, v19;
	v34 =	vand.u32 $0x380, v45;
	v46 =	vadd.s32 v3, v33  }
0x218: {  	v40 =	vor.u32 v12, v40;
	v43 =	vor.u32 v2, v43;
	v58 =	vor.u32 v34, v46  }
0x219: {  	v63 =	vadd.s32 v13, v18;
	v57 =	vld.idx.msk [tilespmem:v42+s18+$0x0], $0xffff;
	[tilespmem:s5+$0x30] =	vst v36;
	v42 =	vor.u32 v2, v58  }
0x21a: {  	v51 =	vadd.s32 v5, v30;
	v32 =	vor.u32 v17, v32;
	v61 =	vld.idx.msk [tilespmem:v38+s18+$0x0], $0xffff;
	v38 =	vor.u32 v21, v62  }
0x21b: {  	[tilespmem:s5+$0xFFFFFFBF] =	vst v35;
	v52 =	vadd.s32 v5, v27;
	v24 =	vadd.s32 v15, v24;
	v48 =	vor.u32 v2, v38  }
0x21c: {  	v31 =	vor.u32 v21, v31;
	v54 =	vadd.s32 v7, v30;
	v22 =	vadd.s32 v15, v22;
	v41 =	vld.idx.msk [tilespmem:v41+s18+$0x0], $0xffff  }
0x21d: {  	[tilespmem:s5+$0xFFFFFF4E] =	vst v37;
	v37 =	vor.u32 v25, v52;
	v49 =	vadd.s32 v5, v33;
	v43 =	vld.idx.msk [tilespmem:v43+s18+$0x0], $0xffff  }
0x21e: {  	v55 =	vadd.s32 v7, v27;
	v37 =	vor.u32 v4, v37;
	v38 =	vor.u32 v34, v49;
	v50 =	vld.idx.msk [tilespmem:v42+s18+$0x0], $0xffff  }
0x21f: {  	v29 =	vor.u32 v21, v29;
	v44 =	vld.idx.msk [tilespmem:v44+s18+$0x0], $0xffff;
	v38 =	vor.u32 v4, v38;
	v42 =	vor.u32 v28, v51  }
0x220: {  	v17 =	vor.u32 v17, v26;
	v18 =	vadd.s32 v15, v18;
	v35 =	vld.idx.msk [tilespmem:v48+s18+$0x0], $0xffff;
	v42 =	vor.u32 v4, v42  }
0x221: {  	s7 =	sadd.s32 $0x1C4, s5;
	v47 =	vadd.s32 v11, v27;
	v60 =	vor.u32 v20, v59;
	v31 =	vor.u32 v4, v31;
	[tilespmem:s5+$0xFFFFFFCF] =	vst v41  }
0x222: {  	v32 =	vor.u32 v12, v32;
	v23 =	vor.u32 v23, v24;
	v20 =	vor.u32 v20, v22;
	[tilespmem:s7+$0x0] =	vst v43  }
0x223: {  	v24 =	vor.u32 v25, v55;
	v53 =	vadd.s32 v7, v33;
	v22 =	vld.idx.msk [tilespmem:v37+s18+$0x0], $0xffff;
	[tilespmem:s7+$0x71] =	vst v50  }
0x224: {  	v24 =	vor.u32 v6, v24;
	v41 =	vor.u32 v34, v53;
	[tilespmem:s7+$0xFFFFFF8F] =	vst v44;
	v38 =	vld.idx.msk [tilespmem:v38+s18+$0x0], $0xffff  }
0x225: {  	v41 =	vor.u32 v6, v41;
	v44 =	vor.u32 v28, v54;
	[tilespmem:s7+$0xFFFFFF1E] =	vst v35;
	v42 =	vld.idx.msk [tilespmem:v42+s18+$0x0], $0xffff  }
0x226: {  	v29 =	vor.u32 v6, v29;
	v59 =	vadd.s32 v9, v30;
	v56 =	vor.u32 v6, v44;
	v31 =	vld.idx.msk [tilespmem:v31+s18+$0x0], $0xffff  }
0x227: {  	v36 =	vor.u32 v12, v60;
	v45 =	vor.u32 v16, v63;
	v62 =	vadd.s32 v9, v19;
	[tilespmem:s5+$0x40] =	vst v61  }
0x228: {  	v39 =	vld.idx.msk [tilespmem:v39+s18+$0x0], $0xffff;
	v45 =	vor.u32 v12, v45;
	[tilespmem:s7+$0x10] =	vst v22;
	v22 =	vadd.s32 v9, v27  }
0x229: {  	v58 =	vadd.s32 v9, v33;
	v24 =	vld.idx.msk [tilespmem:v24+s18+$0x0], $0xffff;
	v22 =	vor.u32 v25, v22;
	[tilespmem:s7+$0x81] =	vst v38  }
0x22a: {  	v37 =	vor.u32 v34, v58;
	v22 =	vor.u32 v8, v22;
	[tilespmem:s7+$0xFFFFFF9F] =	vst v42;
	v60 =	vld.idx.msk [tilespmem:v41+s18+$0x0], $0xffff  }
0x22b: {  	v37 =	vor.u32 v8, v37;
	[tilespmem:s7+$0xFFFFFF2E] =	vst v31;
	v38 =	vor.u32 v28, v59;
	v61 =	vld.idx.msk [tilespmem:v56+s18+$0x0], $0xffff  }
0x22c: {  	v63 =	vor.u32 v21, v62;
	[tilespmem:s5+$0xB1] =	vst v57;
	v29 =	vld.idx.msk [tilespmem:v29+s18+$0x0], $0xffff;
	v38 =	vor.u32 v8, v38  }
0x22d: {  	v55 =	vadd.s32 v13, v19;
	v20 =	vor.u32 v14, v20;
	v36 =	vld.idx.msk [tilespmem:v36+s18+$0x0], $0xffff;
	v42 =	vor.u32 v8, v63  }
0x22e: {  	v57 =	vld.idx.msk [tilespmem:v45+s18+$0x0], $0xffff;
	v48 =	vadd.s32 v11, v19;
	v43 =	vadd.s32 v11, v33;
	[tilespmem:s7+$0x20] =	vst v24  }
0x22f: {  	v44 =	vadd.s32 v11, v30;
	v24 =	vor.u32 v25, v47;
	v22 =	vld.idx.msk [tilespmem:v22+s18+$0x0], $0xffff;
	[tilespmem:s7+$0x91] =	vst v60  }
0x230: {  	v31 =	vor.u32 v34, v43;
	v24 =	vor.u32 v10, v24;
	[tilespmem:s7+$0xFFFFFFAF] =	vst v61;
	v37 =	vld.idx.msk [tilespmem:v37+s18+$0x0], $0xffff  }
0x231: {  	v46 =	vor.u32 v28, v44;
	v31 =	vor.u32 v10, v31;
	[tilespmem:s7+$0xFFFFFF3E] =	vst v29;
	v45 =	vld.idx.msk [tilespmem:v38+s18+$0x0], $0xffff  }
0x232: {  	v49 =	vor.u32 v21, v48;
	[tilespmem:s5+$0xC1] =	vst v36;
	v26 =	vld.idx.msk [tilespmem:v42+s18+$0x0], $0xffff;
	v38 =	vor.u32 v10, v46  }
0x233: {  	v17 =	vor.u32 v14, v17;
	[tilespmem:s5+$0xFFFFFF5E] =	vst v39;
	v20 =	vld.idx.msk [tilespmem:v20+s18+$0x0], $0xffff;
	v29 =	vor.u32 v10, v49  }
0x234: {  	v16 =	vor.u32 v16, v18;
	v51 =	vadd.s32 v13, v30;
	[tilespmem:s7+$0x30] =	vst v22;
	v22 =	vadd.s32 v13, v27  }
0x235: {  	v50 =	vadd.s32 v13, v33;
	v24 =	vld.idx.msk [tilespmem:v24+s18+$0x0], $0xffff;
	v22 =	vor.u32 v25, v22;
	[tilespmem:s7+$0xA1] =	vst v37  }
0x236: {  	v52 =	vor.u32 v34, v50;
	v22 =	vor.u32 v12, v22;
	[tilespmem:s7+$0xFFFFFFBF] =	vst v45;
	v31 =	vld.idx.msk [tilespmem:v31+s18+$0x0], $0xffff  }
0x237: {  	v53 =	vor.u32 v28, v51;
	v36 =	vor.u32 v12, v52;
	[tilespmem:s7+$0xFFFFFF4E] =	vst v26;
	v54 =	vld.idx.msk [tilespmem:v38+s18+$0x0], $0xffff  }
0x238: {  	v18 =	vor.u32 v12, v53;
	[tilespmem:s6+$0xD1] =	vst v20;
	v56 =	vor.u32 v21, v55;
	v20 =	vld.idx.msk [tilespmem:v29+s18+$0x0], $0xffff  }
0x239: {  	v23 =	vor.u32 v14, v23;
	v40 =	vld.idx.msk [tilespmem:v40+s18+$0x0], $0xffff;
	[tilespmem:s6+$0x50] =	vst v57;
	v26 =	vor.u32 v12, v56  }
0x23a: {  	v16 =	vor.u32 v14, v16;
	v62 =	vadd.s32 v15, v27;
	v32 =	vld.idx.msk [tilespmem:v32+s18+$0x0], $0xffff;
	[tilespmem:s7+$0x40] =	vst v24  }
0x23b: {  	v19 =	vadd.s32 v15, v19;
	v58 =	vadd.s32 v15, v33;
	v22 =	vld.idx.msk [tilespmem:v22+s18+$0x0], $0xffff;
	[tilespmem:s7+$0xB1] =	vst v31  }
0x23c: {  	v19 =	vor.u32 v21, v19;
	[tilespmem:s7+$0xFFFFFFCF] =	vst v54;
	v31 =	vor.u32 v34, v58;
	v57 =	vld.idx.msk [tilespmem:v36+s18+$0x0], $0xffff  }
0x23d: {  	v63 =	vor.u32 v25, v62;
	[tilespmem:s7+$0xFFFFFF5E] =	vst v20;
	v18 =	vld.idx.msk [tilespmem:v18+s18+$0x0], $0xffff;
	v61 =	vor.u32 v14, v31  }
0x23e: {  	[tilespmem:s6+$0xFFFFFFDF] =	vst v40;
	v59 =	vadd.s32 v15, v30;
	v21 =	vor.u32 v14, v63;
	v26 =	vld.idx.msk [tilespmem:v26+s18+$0x0], $0xffff  }
0x23f: {  	v19 =	vor.u32 v14, v19;
	[tilespmem:s6+$0xFFFFFF6E] =	vst v32;
	v16 =	vld.idx.msk [tilespmem:v16+s18+$0x0], $0xffff;
	v60 =	vor.u32 v28, v59  }
0x240: {  	v23 =	vld.idx.msk [tilespmem:v23+s18+$0x0], $0xffff;
	v20 =	vor.u32 v14, v60;
	[tilespmem:s7+$0x50] =	vst v22  }
0x241: {  	v17 =	vld.idx.msk [tilespmem:v17+s18+$0x0], $0xffff;
	[tilespmem:s7+$0xC1] =	vst v57  }
0x242: {  	[tilespmem:s7+$0xFFFFFFDF] =	vst v18;
	v18 =	vld.idx.msk [tilespmem:v61+s18+$0x0], $0xffff  }
0x243: {  	v21 =	vld.idx.msk [tilespmem:v21+s18+$0x0], $0xffff;
	[tilespmem:s7+$0xFFFFFF6E] =	vst v26  }
0x244: {  	[tilespmem:s6+$0x60] =	vst v16;
	v16 =	vld.idx.msk [tilespmem:v19+s18+$0x0], $0xffff  }
0x245: {  	[tilespmem:s6+$0xFFFFFFEF] =	vst v23;
	v20 =	vld.idx.msk [tilespmem:v20+s18+$0x0], $0xffff  }
0x246: {  	s5 =	simm.s32 $0x1;
	[tilespmem:s6+$0xFFFFFF7E] =	vst v17;
	v17 =	vadd.s32 s1, v1  }
0x247: {  	s6 =	simm.s32 $0x2;
	[tilespmem:s7+$0xD1] =	vst v18;
	v18 =	vadd.s32 s5, v1  }
0x248: {  	v19 =	vadd.s32 s6, v1;
	[tilespmem:s7+$0x60] =	vst v21  }
0x249: {  	v21 =	vadd.s32 s0, v1;
	[tilespmem:s7+$0xFFFFFF7E] =	vst v16  }
0x24a: {  	[tilespmem:s7+$0xFFFFFFEF] =	vst v20;
	s7 =	simm.s32 $0x7  }
0x24b: {  	s13 =	simm.s32 $0x5;
	v16 =	vld.idx.msk [tilespmem:v17+s19+$0x0], $0xffff;
	v23 =	vadd.s32 s7, v1  }
0x24c: {  	s31 =	simm.s32 $0x6;
	v22 =	vadd.s32 s13, v1;
	v17 =	vld.idx.msk [tilespmem:v18+s19+$0x0], $0xffff  }
0x24d: {  	v20 =	vadd.s32 s31, v1;
	v18 =	vld.idx.msk [tilespmem:v19+s19+$0x0], $0xffff  }
0x24e: {  	s0 =	simm.s32 $0x8;
	v19 =	vld.idx.msk [tilespmem:v21+s19+$0x0], $0xffff;
	v21 =	vadd.s32 s2, v1  }
.LBB2_17:
0x24f: {  	s1 =	sadd.s32 $0x3, s0  }
0x250: {  	p2 =	slt.u32 s0, $0x60;
	[tilespmem:s29+$0x200] =	vst v16;
	v16 =	vld.idx.msk [tilespmem:v23+s19+$0x0], $0xffff;
	s2 =	smov.u32 s0;
	s0 =	sadd.s32 $0x4, s0  }
.Ltmp7:
0x251: {  	s4 =	sadd.s32 $0x1, s2;
	v23 =	vadd.s32 s1, v1;
	[tilespmem:s29+$0xFFFFFE00] =	vst v17;
	v17 =	vld.idx.msk [tilespmem:v22+s19+$0x0], $0xffff;
	(pc) =	sbr.rel @p2 .LBB2_17-.Ltmp7, $4  }
0x252: {  	s1 =	sadd.s32 $0x2, s2;
	v22 =	vadd.s32 s4, v1;
	[tilespmem:s29+$0x0] =	vst v18;
	v18 =	vld.idx.msk [tilespmem:v20+s19+$0x0], $0xffff  }
0x253: {  	v20 =	vadd.s32 s1, v1;
	[tilespmem:s29+$0xFFFFFC00] =	vst v19;
	v19 =	vld.idx.msk [tilespmem:v21+s19+$0x0], $0xffff  }
0x254: {  	v21 =	vadd.s32 s2, v1  }
0x255: {  	s29 =	sadd.s32 $0x800, s29  }
0x256: {  	_ =	sdelay $0x3  }
0x257: {  	v23 =	vld.idx.msk [tilespmem:v23+s19+$0x0], $0xffff  }
0x258: {  	[tilespmem:s29+$0x200] =	vst v16;
	v16 =	vld.idx.msk [tilespmem:v22+s19+$0x0], $0xffff  }
0x259: {  	[tilespmem:s29+$0xFFFFFE00] =	vst v17;
	v17 =	vld.idx.msk [tilespmem:v20+s19+$0x0], $0xffff  }
0x25a: {  	v63 =	vld.idx.msk [tilespmem:v21+s19+$0x0], $0xffff;
	[tilespmem:s29+$0x0] =	vst v18  }
.Ltmp8:
0x25b: {  	s0 =	sadd.s32 $0x800, s29;
	[tilespmem:s29+$0xFFFFFC00] =	vst v19;
	(pc) =	sbr.rel @p1 .LBB2_19-.Ltmp8, $4  }
0x25c: {  	[tilespmem:s0+$0x200] =	vst v23  }
0x25d: {  	[tilespmem:s0+$0xFFFFFE00] =	vst v16  }
0x25e: {  	[tilespmem:s0+$0x0] =	vst v17  }
0x25f: {  	[tilespmem:s0+$0xFFFFFC00] =	vst v63  }
.Ltmp9:
0x260: {  	(pc) =	sbr.rel .LBB2_2-.Ltmp9, $4  }
0x261: {  	_ = 	snop  }
0x262: {  	s0 =	sadd.s32 s30, s11  }
0x263: {  	s28 =	sadd.s32 $0x1, s28;
	s26 =	sadd.s32 $0x40, s26;
	p0 =	por !p0, !p0  }
0x264: {  	[tilespmem:s18], [sflag:$0x4] =	stream.linear.gather [hbm4b:s0+s3], $0x4000, $0x38;
	[tilespmem:$0x1D000] =	vst v63  }
.LBB2_19:
0x265: {  	s0 =	simm.s32 $0x0  }
0x266: {  	s1 =	sand.u32 $0x3C000, s0;
	s2 =	sand.u32 $0x70, s0  }
0x267: {  	s1 =	sor.u32 s2, s1  }
0x268: {  	s31 =	simm.s32 $0x10800;
	s1 =	sadd.s32 s1, s12  }
0x269: {  	[hbm4b:s1+s15] =	stream.strided.scatter [tilespmem:s31], [sflag:$0x5], $0x200, s23, s15, $0x38;
	[tilespmem:$0x1D000] =	vst v63  }
0x26a: {  	s1 =	simm.s32 $0x800  }
.LBB2_20:
0x26b: {  	s2 =	sand.u32 $0x3C000, s1;
	p0 =	sne.s32 s1, $0x31800  }
.Ltmp10:
0x26c: {  	s0 =	sadd.s32 $0x10, s0;
	s4 =	smov.u32 s1;
	(pc) =	sbr.rel @p0 .LBB2_20-.Ltmp10, $4  }
0x26d: {  	s1 =	sadd.s32 $0x800, s1;
	s5 =	sand.u32 $0x70, s0  }
0x26e: {  	s4 =	sshra.s32 s4, $0x2;
	s2 =	sor.u32 s5, s2  }
0x26f: {  	s4 =	sadd.s32 $0x10800, s4;
	s2 =	sadd.s32 s2, s12  }
0x270: {  	[hbm4b:s2+s15] =	stream.strided.scatter [tilespmem:s4], [sflag:$0x5], $0x200, s23, s15, $0x38;
	[tilespmem:$0x1D000] =	vst v63  }
0x271: {  	_ =	swait.ge [sflag:s24], $0x200  }
0x272: {  	s0 =	simm.s32 $0x63;
	[sflag:s24] =	ssyncset.done $0x0  }
.LBB2_22:
0x273: {  	p0 =	sne.s32 s0, $0x1;
	s0 =	sadd.s32 $0xFFFFFFFF, s0;
	[sflag:s24] =	ssyncadd.s32 $0xFFFFFE00  }
.Ltmp11:
0x274: {  	(pc) =	sbr.rel @p0 .LBB2_22-.Ltmp11, $3  }
0x275: {  	_ =	sdelay $0x1  }
0x276: {  	_ =	swait.ge [sflag:s24], $0x200  }
0x277: {  	[sflag:s24] =	ssyncset.done $0x0  }
0x278: {  	s25 =	sadd.s32 $0x1, s25;
	s0 =	rddreg [dreg:$0x8]  }
0x279: {  	p0 =	sne.s32 s25, s0  }
.Ltmp12:
0x27a: {  	_ = 	snop;
	(pc) =	sbr.rel @p0 .LBB2_1-.Ltmp12, $2  }
0x27b: {  	_ =	sdelay $0x2  }
0x27c: {  	[sflag:s24] =	ssyncadd.s32 $0xFFFFFE00  }
0x27d: {  	_ =	sfence.sel $0x180000  }
0x27e: {  	[bflag:$0x0] =	sbarrier.arrive $0xFFFF  }
0x27f: {  	_ =	strace $0x90000047  }
0x280: {  	s0 =	stileid.u32;
	[bflag:$0x2] =	sbarrier.arrive $0xFFFF  }
0x281: {  	p0 =	sne.s32 s0, $0x0;
	s0 =	rddreg [dreg:$0x3]  }
0x282: {  	s0 =	sadd.s32 @!p0 $0x100000, s0  }
0x283: {  	[sflag:s0] =	ssyncadd.tile.s32 @!p0 $0x1;
	_ =	shalt  }
.Lfunc_end2:
_tile_overlayer_lowered:
.L_overlay_start_2:
0x284: {  	(tag) =	ssettag $0x2  }
0x285: {  	s0 =	rddreg [dreg:$0x0];
	s2 =	stileid.u32  }
0x286: {  	s1 =	rddreg [dreg:$0x1];
	p0 =	sne.s32 s2, $0x0  }
0x287: {  	s3 =	rddreg [dreg:$0x2];
	[bflag:$0x3] =	sbarrier.arrive $0xFFFF;
	s2 =	simm.s32 @!p0 $0x1C06  }
0x288: {  	[timem:s3], [sflag:s2] =	dma.local @!p0 [hbm:s0], s1  }
0x289: {  	s0 =	simm.s32 @!p0 $0x6  }
0x28a: {  	_ =	swait.ge @!p0 [sflag:s0], s1  }
0x28b: {  	s1 =	ssub.s32 @!p0 $0x0, s1;
	[sflag:s0] =	ssyncset.done @!p0 $0x0  }
0x28c: {  	[sflag:s0] =	ssyncadd.s32 @!p0 s1  }
0x28d: {  	[bflag:$0x3] =	sbarrier.arrive $0xFFFF  }
0x28e: {  	_ =	shalt  }

</sc_bundles>
